<compile_context>
chip_gen: v7x
topology: tpu7x:2x2x1
jax: 0.10.2.dev20260603
libtpu: 0.0.44.dev20260713+nightly
codegen_flags: <defaults>
</compile_context>

<pallas_src>
import jax
import jax.numpy as jnp
from jax import lax
from jax.experimental import pallas as pl
from jax.experimental.pallas import tpu as pltpu
from jax.experimental.pallas import tpu_sc as plsc

_N_EXPERTS = 16
_TOPK = 2
_BT = 1024

_NC = 2
_NS = 16
_NW = _NC * _NS
_LANES = 16


def _matmul_body(x_ref, w_ref, out_ref):
    out_ref[...] = lax.dot_general(
        w_ref[...], x_ref[...], (((1,), (1,)), ((), ())),
        preferred_element_type=jnp.float32)


def _tc_logits_t(x, W):
    tokens, dim = x.shape
    n_experts = W.shape[0]
    return pl.pallas_call(
        _matmul_body,
        grid=(tokens // _BT,),
        in_specs=[
            pl.BlockSpec((_BT, dim), lambda i: (i, 0)),
            pl.BlockSpec((n_experts, dim), lambda i: (0, 0)),
        ],
        out_specs=pl.BlockSpec((n_experts, _BT), lambda i: (0, i)),
        out_shape=jax.ShapeDtypeStruct((n_experts, tokens), jnp.float32),
    )(x, W)


def _sc_router_body(logits_hbm, bias_hbm, w_out_hbm, idx_out_hbm,
                    logit_v, bias_v, w_v, i_v):
    n_tok = logit_v.shape[1]
    wid = lax.axis_index("s") * _NC + lax.axis_index("c")
    tok0 = wid * n_tok
    pltpu.sync_copy(logits_hbm.at[:, pl.ds(tok0, n_tok)], logit_v)
    pltpu.sync_copy(bias_hbm, bias_v)

    e_vecs = [jnp.full((16,), e, jnp.int32) for e in range(_N_EXPERTS)]
    bias_b = [plsc.load_gather(bias_v, [e_vecs[e]]) for e in range(_N_EXPERTS)]

    def _comb(A, B):
        (a1m, a1i, a2m, a2i), (b1m, b1i, b2m, b2i) = A, B
        c1 = b1m > a1m
        c2 = b1m > a2m
        c3 = b2m > a1m
        n1m = jnp.where(c1, b1m, a1m)
        n1i = jnp.where(c1, b1i, a1i)
        n2m = jnp.where(c1, jnp.where(c3, b2m, a1m), jnp.where(c2, b1m, a2m))
        n2i = jnp.where(c1, jnp.where(c3, b2i, a1i), jnp.where(c2, b1i, a2i))
        return (n1m, n1i, n2m, n2i)

    def group(t, carry):
        base = t * _LANES
        s_sel = []
        for e in range(_N_EXPERTS):
            z = logit_v[e, pl.ds(base, _LANES)]
            s_sel.append(1.0 / (1.0 + jnp.exp(-z)) + bias_b[e])
        nodes = []
        for e in range(0, _N_EXPERTS, 2):
            c = s_sel[e + 1] > s_sel[e]
            nodes.append((
                jnp.where(c, s_sel[e + 1], s_sel[e]),
                jnp.where(c, e_vecs[e + 1], e_vecs[e]),
                jnp.where(c, s_sel[e], s_sel[e + 1]),
                jnp.where(c, e_vecs[e], e_vecs[e + 1]),
            ))
        while len(nodes) > 1:
            nodes = [_comb(nodes[i], nodes[i + 1])
                     for i in range(0, len(nodes), 2)]
        m1, i1, m2, i2 = nodes[0]
        w1 = m1 - plsc.load_gather(bias_v, [i1])
        w2 = m2 - plsc.load_gather(bias_v, [i2])
        denom = jnp.maximum(w1 + w2, 1e-12)
        scale = 1.0 / denom
        w_v[0, pl.ds(base, _LANES)] = w1 * scale
        w_v[1, pl.ds(base, _LANES)] = w2 * scale
        i_v[0, pl.ds(base, _LANES)] = i1
        i_v[1, pl.ds(base, _LANES)] = i2
        return carry

    lax.fori_loop(0, n_tok // _LANES, group, 0, unroll=2)

    pltpu.sync_copy(w_v, w_out_hbm.at[:, pl.ds(tok0, n_tok)])
    pltpu.sync_copy(i_v, idx_out_hbm.at[:, pl.ds(tok0, n_tok)])


def _sc_router(logits_t, bias):
    tokens = logits_t.shape[1]
    n_tok = tokens // _NW
    mesh = plsc.VectorSubcoreMesh(core_axis_name="c", subcore_axis_name="s")
    run = pl.kernel(
        _sc_router_body,
        out_type=[
            jax.ShapeDtypeStruct((_TOPK, tokens), jnp.float32),
            jax.ShapeDtypeStruct((_TOPK, tokens), jnp.int32),
        ],
        mesh=mesh,
        scratch_types=[
            pltpu.VMEM((_N_EXPERTS, n_tok), jnp.float32),
            pltpu.VMEM((_N_EXPERTS,), jnp.float32),
            pltpu.VMEM((_TOPK, n_tok), jnp.float32),
            pltpu.VMEM((_TOPK, n_tok), jnp.int32),
        ],
        compiler_params=pltpu.CompilerParams(needs_layout_passes=False),
    )
    return run(logits_t, bias)


@jax.jit
def kernel(x, W, bias):
    logits_t = _tc_logits_t(x, W)
    w_t, i_t = _sc_router(logits_t, bias)
    return w_t.T, i_t.T

# --- scband reference (transcript-rebuilt; emitter-appended) ---
"""Pipeline reference for scband-router-42614665511160 (READ-ONLY COPY).

The authoritative reference and input builder live on the scoring server;
editing this copy changes nothing except your own understanding.
"""

import jax, jax.numpy as jnp
import numpy as np

N_EXPERTS = 16
TOPK = 2
DIM = 2048
TOKENS = 16384
ROUTE_SCALE = 1.0

def setup_inputs(seed: int = 0) -> dict:
    key = jax.random.key(seed)
    k1, k2 = jax.random.split(key)
    x = jax.random.normal(k1, (TOKENS, DIM), dtype=jnp.float32)
    W = jax.random.normal(k2, (N_EXPERTS, DIM), dtype=jnp.float32) * 0.02
    bias = jnp.zeros((N_EXPERTS,), dtype=jnp.float32)
    return {"x": x, "W": W, "bias": bias}

def reference(x, W, bias):
    # logits = gate(x) -> [tokens, n_experts]
    logits = (x @ W.T).astype(jnp.float32)
    if ROUTE_SCALE != 1.0:
        logits = logits * ROUTE_SCALE
    scores = jax.nn.sigmoid(logits)
    scores_for_selection = scores + bias[None, :]
    _, indices = jax.lax.top_k(scores_for_selection, TOPK)
    weights = jnp.take_along_axis(scores, indices, axis=1)
    denom = jnp.clip(jnp.sum(weights, axis=-1, keepdims=True), 1e-12, None)
    weights = weights / denom
    return weights.astype(x.dtype), indices

if __name__ == "__main__":
    import jax
    _d = setup_inputs()
    print(jax.jit(kernel)(*tuple(_d.values())))

</pallas_src>

<mosaic_0001>
#map = affine_map<(d0, d1) -> (0, 0)>
#map1 = affine_map<(d0, d1) -> (0)>
module attributes {stable_mosaic.version = 14 : i64} {
  func.func @_sc_router_body(%arg0: i32, %arg1: i32, %arg2: memref<16x16384xf32, #tpu.memory_space<hbm>>, %arg3: memref<16xf32, #tpu.memory_space<hbm>>, %arg4: memref<2x16384xf32, #tpu.memory_space<hbm>>, %arg5: memref<2x16384xi32, #tpu.memory_space<hbm>>, %arg6: memref<16x512xf32, #tpu.memory_space<vmem>>, %arg7: memref<16xf32, #tpu.memory_space<vmem>>, %arg8: memref<2x512xf32, #tpu.memory_space<vmem>>, %arg9: memref<2x512xi32, #tpu.memory_space<vmem>>) attributes {dimension_semantics = [#tpu.dimension_semantics<core_parallel>, #tpu.dimension_semantics<subcore_parallel>], iteration_bounds = array<i64: 2, 16>, scalar_prefetch = 0 : i64, scratch_operands = 4 : i64, tpu.core_type = #tpu.core_type<sc_vector_subcore>, window_params = [{transform_indices = #map}, {transform_indices = #map1}, {transform_indices = #map}, {transform_indices = #map}]} {
    %mul3A = arith.constant 2 : i32
    %mul3A_0 = arith.muli %arg1, %mul3A : i32
    %add3A = arith.addi %mul3A_0, %arg0 : i32
    %mul3A_1 = arith.constant 512 : i32
    %mul3A_2 = arith.muli %add3A, %mul3A_1 : i32
    "tpu.region"() ({
      %run_scoped3A = tpu.sem_alloc : memref<!tpu.dma_semaphore, #tpu.memory_space<semaphore_mem>>
      %dma_start3A = arith.constant 0 : i32
      %dma_start3A_54 = tpu.memref_slice %arg2[%dma_start3A, %mul3A_2] : memref<16x16384xf32, #tpu.memory_space<hbm>> -> memref<16x512xf32, #tpu.memory_space<hbm>>
      %dma_start3A_55 = arith.constant 0 : i32
      %dma_start3A_56 = tpu.memref_slice %arg2[%dma_start3A_55, %mul3A_2] : memref<16x16384xf32, #tpu.memory_space<hbm>> -> memref<16x512xf32, #tpu.memory_space<hbm>>
      tpu.enqueue_dma source(%dma_start3A_56 : memref<16x512xf32, #tpu.memory_space<hbm>>) target(%arg6 : memref<16x512xf32, #tpu.memory_space<vmem>>) target_semaphore(%run_scoped3A : memref<!tpu.dma_semaphore, #tpu.memory_space<semaphore_mem>>)
      %dma_wait3A = arith.constant 0 : i32
      %dma_wait3A_57 = tpu.memref_slice %arg2[%dma_wait3A, %mul3A_2] : memref<16x16384xf32, #tpu.memory_space<hbm>> -> memref<16x512xf32, #tpu.memory_space<hbm>>
      %dma_wait3A_58 = arith.constant 0 : i32
      %dma_wait3A_59 = tpu.memref_slice %arg2[%dma_wait3A_58, %mul3A_2] : memref<16x16384xf32, #tpu.memory_space<hbm>> -> memref<16x512xf32, #tpu.memory_space<hbm>>
      tpu.wait_dma2 semaphore(%run_scoped3A : memref<!tpu.dma_semaphore, #tpu.memory_space<semaphore_mem>>) src(%dma_wait3A_59 : memref<16x512xf32, #tpu.memory_space<hbm>>) dst(%arg6 : memref<16x512xf32, #tpu.memory_space<vmem>>)
      tpu.yield
    }) : () -> ()
    "tpu.region"() ({
      %run_scoped3A = tpu.sem_alloc : memref<!tpu.dma_semaphore, #tpu.memory_space<semaphore_mem>>
      tpu.enqueue_dma source(%arg3 : memref<16xf32, #tpu.memory_space<hbm>>) target(%arg7 : memref<16xf32, #tpu.memory_space<vmem>>) target_semaphore(%run_scoped3A : memref<!tpu.dma_semaphore, #tpu.memory_space<semaphore_mem>>)
      tpu.wait_dma2 semaphore(%run_scoped3A : memref<!tpu.dma_semaphore, #tpu.memory_space<semaphore_mem>>) src(%arg3 : memref<16xf32, #tpu.memory_space<hbm>>) dst(%arg7 : memref<16xf32, #tpu.memory_space<vmem>>)
      tpu.yield
    }) : () -> ()
    %broadcast_in_dim3A = arith.constant 0 : i32
    %broadcast_in_dim3A_3 = vector.broadcast %broadcast_in_dim3A : i32 to vector<16xi32>
    %broadcast_in_dim3A_4 = arith.constant 1 : i32
    %broadcast_in_dim3A_5 = vector.broadcast %broadcast_in_dim3A_4 : i32 to vector<16xi32>
    %broadcast_in_dim3A_6 = arith.constant 2 : i32
    %broadcast_in_dim3A_7 = vector.broadcast %broadcast_in_dim3A_6 : i32 to vector<16xi32>
    %broadcast_in_dim3A_8 = arith.constant 3 : i32
    %broadcast_in_dim3A_9 = vector.broadcast %broadcast_in_dim3A_8 : i32 to vector<16xi32>
    %broadcast_in_dim3A_10 = arith.constant 4 : i32
    %broadcast_in_dim3A_11 = vector.broadcast %broadcast_in_dim3A_10 : i32 to vector<16xi32>
    %broadcast_in_dim3A_12 = arith.constant 5 : i32
    %broadcast_in_dim3A_13 = vector.broadcast %broadcast_in_dim3A_12 : i32 to vector<16xi32>
    %broadcast_in_dim3A_14 = arith.constant 6 : i32
    %broadcast_in_dim3A_15 = vector.broadcast %broadcast_in_dim3A_14 : i32 to vector<16xi32>
    %broadcast_in_dim3A_16 = arith.constant 7 : i32
    %broadcast_in_dim3A_17 = vector.broadcast %broadcast_in_dim3A_16 : i32 to vector<16xi32>
    %broadcast_in_dim3A_18 = arith.constant 8 : i32
    %broadcast_in_dim3A_19 = vector.broadcast %broadcast_in_dim3A_18 : i32 to vector<16xi32>
    %broadcast_in_dim3A_20 = arith.constant 9 : i32
    %broadcast_in_dim3A_21 = vector.broadcast %broadcast_in_dim3A_20 : i32 to vector<16xi32>
    %broadcast_in_dim3A_22 = arith.constant 10 : i32
    %broadcast_in_dim3A_23 = vector.broadcast %broadcast_in_dim3A_22 : i32 to vector<16xi32>
    %broadcast_in_dim3A_24 = arith.constant 11 : i32
    %broadcast_in_dim3A_25 = vector.broadcast %broadcast_in_dim3A_24 : i32 to vector<16xi32>
    %broadcast_in_dim3A_26 = arith.constant 12 : i32
    %broadcast_in_dim3A_27 = vector.broadcast %broadcast_in_dim3A_26 : i32 to vector<16xi32>
    %broadcast_in_dim3A_28 = arith.constant 13 : i32
    %broadcast_in_dim3A_29 = vector.broadcast %broadcast_in_dim3A_28 : i32 to vector<16xi32>
    %broadcast_in_dim3A_30 = arith.constant 14 : i32
    %broadcast_in_dim3A_31 = vector.broadcast %broadcast_in_dim3A_30 : i32 to vector<16xi32>
    %broadcast_in_dim3A_32 = arith.constant 15 : i32
    %broadcast_in_dim3A_33 = vector.broadcast %broadcast_in_dim3A_32 : i32 to vector<16xi32>
    %gather3A = tpu.vector_load_idx %arg7[%broadcast_in_dim3A_3] : memref<16xf32, #tpu.memory_space<vmem>>[vector<16xi32>], vector<16xf32>,
    %gather3A_34 = tpu.vector_load_idx %arg7[%broadcast_in_dim3A_5] : memref<16xf32, #tpu.memory_space<vmem>>[vector<16xi32>], vector<16xf32>,
    %gather3A_35 = tpu.vector_load_idx %arg7[%broadcast_in_dim3A_7] : memref<16xf32, #tpu.memory_space<vmem>>[vector<16xi32>], vector<16xf32>,
    %gather3A_36 = tpu.vector_load_idx %arg7[%broadcast_in_dim3A_9] : memref<16xf32, #tpu.memory_space<vmem>>[vector<16xi32>], vector<16xf32>,
    %gather3A_37 = tpu.vector_load_idx %arg7[%broadcast_in_dim3A_11] : memref<16xf32, #tpu.memory_space<vmem>>[vector<16xi32>], vector<16xf32>,
    %gather3A_38 = tpu.vector_load_idx %arg7[%broadcast_in_dim3A_13] : memref<16xf32, #tpu.memory_space<vmem>>[vector<16xi32>], vector<16xf32>,
    %gather3A_39 = tpu.vector_load_idx %arg7[%broadcast_in_dim3A_15] : memref<16xf32, #tpu.memory_space<vmem>>[vector<16xi32>], vector<16xf32>,
    %gather3A_40 = tpu.vector_load_idx %arg7[%broadcast_in_dim3A_17] : memref<16xf32, #tpu.memory_space<vmem>>[vector<16xi32>], vector<16xf32>,
    %gather3A_41 = tpu.vector_load_idx %arg7[%broadcast_in_dim3A_19] : memref<16xf32, #tpu.memory_space<vmem>>[vector<16xi32>], vector<16xf32>,
    %gather3A_42 = tpu.vector_load_idx %arg7[%broadcast_in_dim3A_21] : memref<16xf32, #tpu.memory_space<vmem>>[vector<16xi32>], vector<16xf32>,
    %gather3A_43 = tpu.vector_load_idx %arg7[%broadcast_in_dim3A_23] : memref<16xf32, #tpu.memory_space<vmem>>[vector<16xi32>], vector<16xf32>,
    %gather3A_44 = tpu.vector_load_idx %arg7[%broadcast_in_dim3A_25] : memref<16xf32, #tpu.memory_space<vmem>>[vector<16xi32>], vector<16xf32>,
    %gather3A_45 = tpu.vector_load_idx %arg7[%broadcast_in_dim3A_27] : memref<16xf32, #tpu.memory_space<vmem>>[vector<16xi32>], vector<16xf32>,
    %gather3A_46 = tpu.vector_load_idx %arg7[%broadcast_in_dim3A_29] : memref<16xf32, #tpu.memory_space<vmem>>[vector<16xi32>], vector<16xf32>,
    %gather3A_47 = tpu.vector_load_idx %arg7[%broadcast_in_dim3A_31] : memref<16xf32, #tpu.memory_space<vmem>>[vector<16xi32>], vector<16xf32>,
    %gather3A_48 = tpu.vector_load_idx %arg7[%broadcast_in_dim3A_33] : memref<16xf32, #tpu.memory_space<vmem>>[vector<16xi32>], vector<16xf32>,
    %scan3A = arith.constant 0 : i32
    %scan3A_49 = arith.constant 0 : i32
    %scan3A_50 = arith.constant 32 : i32
    %scan3A_51 = arith.addi %scan3A_49, %scan3A_50 : i32
    %scan3A_52 = arith.constant 2 : i32
    scf.for %scan3A_54 = %scan3A_49 to %scan3A_51 step %scan3A_52  : i32 {
      %mul3A_55 = arith.constant 16 : i32
      %mul3A_56 = arith.muli %scan3A_54, %mul3A_55 : i32
      %get3A = arith.constant 0 : i32
      %get3A_57 = arith.index_cast %get3A : i32 to index
      %get3A_58 = arith.index_cast %mul3A_56 : i32 to index
      %get3A_59 = tpu.vector_load %arg6[%get3A_57, %get3A_58] {strides = array<i32>} : memref<16x512xf32, #tpu.memory_space<vmem>>, vector<16xf32>,
      %neg3A = arith.constant 0.000000e+00 : f32
      %neg3A_60 = vector.broadcast %neg3A : f32 to vector<16xf32>
      %neg3A_61 = arith.subf %neg3A_60, %get3A_59 : vector<16xf32>
      %exp3A = math.exp %neg3A_61 : vector<16xf32>
      %add3A_62 = arith.constant 1.000000e+00 : f32
      %add3A_63 = vector.broadcast %add3A_62 : f32 to vector<16xf32>
      %add3A_64 = arith.addf %add3A_63, %exp3A : vector<16xf32>
      %div3A = arith.constant 1.000000e+00 : f32
      %div3A_65 = vector.broadcast %div3A : f32 to vector<16xf32>
      %div3A_66 = arith.divf %div3A_65, %add3A_64 : vector<16xf32>
      %add3A_67 = arith.addf %div3A_66, %gather3A : vector<16xf32>
      %get3A_68 = arith.constant 1 : i32
      %get3A_69 = arith.index_cast %get3A_68 : i32 to index
      %get3A_70 = arith.index_cast %mul3A_56 : i32 to index
      %get3A_71 = tpu.vector_load %arg6[%get3A_69, %get3A_70] {strides = array<i32>} : memref<16x512xf32, #tpu.memory_space<vmem>>, vector<16xf32>,
      %neg3A_72 = arith.constant 0.000000e+00 : f32
      %neg3A_73 = vector.broadcast %neg3A_72 : f32 to vector<16xf32>
      %neg3A_74 = arith.subf %neg3A_73, %get3A_71 : vector<16xf32>
      %exp3A_75 = math.exp %neg3A_74 : vector<16xf32>
      %add3A_76 = arith.constant 1.000000e+00 : f32
      %add3A_77 = vector.broadcast %add3A_76 : f32 to vector<16xf32>
      %add3A_78 = arith.addf %add3A_77, %exp3A_75 : vector<16xf32>
      %div3A_79 = arith.constant 1.000000e+00 : f32
      %div3A_80 = vector.broadcast %div3A_79 : f32 to vector<16xf32>
      %div3A_81 = arith.divf %div3A_80, %add3A_78 : vector<16xf32>
      %add3A_82 = arith.addf %div3A_81, %gather3A_34 : vector<16xf32>
      %get3A_83 = arith.constant 2 : i32
      %get3A_84 = arith.index_cast %get3A_83 : i32 to index
      %get3A_85 = arith.index_cast %mul3A_56 : i32 to index
      %get3A_86 = tpu.vector_load %arg6[%get3A_84, %get3A_85] {strides = array<i32>} : memref<16x512xf32, #tpu.memory_space<vmem>>, vector<16xf32>,
      %neg3A_87 = arith.constant 0.000000e+00 : f32
      %neg3A_88 = vector.broadcast %neg3A_87 : f32 to vector<16xf32>
      %neg3A_89 = arith.subf %neg3A_88, %get3A_86 : vector<16xf32>
      %exp3A_90 = math.exp %neg3A_89 : vector<16xf32>
      %add3A_91 = arith.constant 1.000000e+00 : f32
      %add3A_92 = vector.broadcast %add3A_91 : f32 to vector<16xf32>
      %add3A_93 = arith.addf %add3A_92, %exp3A_90 : vector<16xf32>
      %div3A_94 = arith.constant 1.000000e+00 : f32
      %div3A_95 = vector.broadcast %div3A_94 : f32 to vector<16xf32>
      %div3A_96 = arith.divf %div3A_95, %add3A_93 : vector<16xf32>
      %add3A_97 = arith.addf %div3A_96, %gather3A_35 : vector<16xf32>
      %get3A_98 = arith.constant 3 : i32
      %get3A_99 = arith.index_cast %get3A_98 : i32 to index
      %get3A_100 = arith.index_cast %mul3A_56 : i32 to index
      %get3A_101 = tpu.vector_load %arg6[%get3A_99, %get3A_100] {strides = array<i32>} : memref<16x512xf32, #tpu.memory_space<vmem>>, vector<16xf32>,
      %neg3A_102 = arith.constant 0.000000e+00 : f32
      %neg3A_103 = vector.broadcast %neg3A_102 : f32 to vector<16xf32>
      %neg3A_104 = arith.subf %neg3A_103, %get3A_101 : vector<16xf32>
      %exp3A_105 = math.exp %neg3A_104 : vector<16xf32>
      %add3A_106 = arith.constant 1.000000e+00 : f32
      %add3A_107 = vector.broadcast %add3A_106 : f32 to vector<16xf32>
      %add3A_108 = arith.addf %add3A_107, %exp3A_105 : vector<16xf32>
      %div3A_109 = arith.constant 1.000000e+00 : f32
      %div3A_110 = vector.broadcast %div3A_109 : f32 to vector<16xf32>
      %div3A_111 = arith.divf %div3A_110, %add3A_108 : vector<16xf32>
      %add3A_112 = arith.addf %div3A_111, %gather3A_36 : vector<16xf32>
      %get3A_113 = arith.constant 4 : i32
      %get3A_114 = arith.index_cast %get3A_113 : i32 to index
      %get3A_115 = arith.index_cast %mul3A_56 : i32 to index
      %get3A_116 = tpu.vector_load %arg6[%get3A_114, %get3A_115] {strides = array<i32>} : memref<16x512xf32, #tpu.memory_space<vmem>>, vector<16xf32>,
      %neg3A_117 = arith.constant 0.000000e+00 : f32
      %neg3A_118 = vector.broadcast %neg3A_117 : f32 to vector<16xf32>
      %neg3A_119 = arith.subf %neg3A_118, %get3A_116 : vector<16xf32>
      %exp3A_120 = math.exp %neg3A_119 : vector<16xf32>
      %add3A_121 = arith.constant 1.000000e+00 : f32
      %add3A_122 = vector.broadcast %add3A_121 : f32 to vector<16xf32>
      %add3A_123 = arith.addf %add3A_122, %exp3A_120 : vector<16xf32>
      %div3A_124 = arith.constant 1.000000e+00 : f32
      %div3A_125 = vector.broadcast %div3A_124 : f32 to vector<16xf32>
      %div3A_126 = arith.divf %div3A_125, %add3A_123 : vector<16xf32>
      %add3A_127 = arith.addf %div3A_126, %gather3A_37 : vector<16xf32>
      %get3A_128 = arith.constant 5 : i32
      %get3A_129 = arith.index_cast %get3A_128 : i32 to index
      %get3A_130 = arith.index_cast %mul3A_56 : i32 to index
      %get3A_131 = tpu.vector_load %arg6[%get3A_129, %get3A_130] {strides = array<i32>} : memref<16x512xf32, #tpu.memory_space<vmem>>, vector<16xf32>,
      %neg3A_132 = arith.constant 0.000000e+00 : f32
      %neg3A_133 = vector.broadcast %neg3A_132 : f32 to vector<16xf32>
      %neg3A_134 = arith.subf %neg3A_133, %get3A_131 : vector<16xf32>
      %exp3A_135 = math.exp %neg3A_134 : vector<16xf32>
      %add3A_136 = arith.constant 1.000000e+00 : f32
      %add3A_137 = vector.broadcast %add3A_136 : f32 to vector<16xf32>
      %add3A_138 = arith.addf %add3A_137, %exp3A_135 : vector<16xf32>
      %div3A_139 = arith.constant 1.000000e+00 : f32
      %div3A_140 = vector.broadcast %div3A_139 : f32 to vector<16xf32>
      %div3A_141 = arith.divf %div3A_140, %add3A_138 : vector<16xf32>
      %add3A_142 = arith.addf %div3A_141, %gather3A_38 : vector<16xf32>
      %get3A_143 = arith.constant 6 : i32
      %get3A_144 = arith.index_cast %get3A_143 : i32 to index
      %get3A_145 = arith.index_cast %mul3A_56 : i32 to index
      %get3A_146 = tpu.vector_load %arg6[%get3A_144, %get3A_145] {strides = array<i32>} : memref<16x512xf32, #tpu.memory_space<vmem>>, vector<16xf32>,
      %neg3A_147 = arith.constant 0.000000e+00 : f32
      %neg3A_148 = vector.broadcast %neg3A_147 : f32 to vector<16xf32>
      %neg3A_149 = arith.subf %neg3A_148, %get3A_146 : vector<16xf32>
      %exp3A_150 = math.exp %neg3A_149 : vector<16xf32>
      %add3A_151 = arith.constant 1.000000e+00 : f32
      %add3A_152 = vector.broadcast %add3A_151 : f32 to vector<16xf32>
      %add3A_153 = arith.addf %add3A_152, %exp3A_150 : vector<16xf32>
      %div3A_154 = arith.constant 1.000000e+00 : f32
      %div3A_155 = vector.broadcast %div3A_154 : f32 to vector<16xf32>
      %div3A_156 = arith.divf %div3A_155, %add3A_153 : vector<16xf32>
      %add3A_157 = arith.addf %div3A_156, %gather3A_39 : vector<16xf32>
      %get3A_158 = arith.constant 7 : i32
      %get3A_159 = arith.index_cast %get3A_158 : i32 to index
      %get3A_160 = arith.index_cast %mul3A_56 : i32 to index
      %get3A_161 = tpu.vector_load %arg6[%get3A_159, %get3A_160] {strides = array<i32>} : memref<16x512xf32, #tpu.memory_space<vmem>>, vector<16xf32>,
      %neg3A_162 = arith.constant 0.000000e+00 : f32
      %neg3A_163 = vector.broadcast %neg3A_162 : f32 to vector<16xf32>
      %neg3A_164 = arith.subf %neg3A_163, %get3A_161 : vector<16xf32>
      %exp3A_165 = math.exp %neg3A_164 : vector<16xf32>
      %add3A_166 = arith.constant 1.000000e+00 : f32
      %add3A_167 = vector.broadcast %add3A_166 : f32 to vector<16xf32>
      %add3A_168 = arith.addf %add3A_167, %exp3A_165 : vector<16xf32>
      %div3A_169 = arith.constant 1.000000e+00 : f32
      %div3A_170 = vector.broadcast %div3A_169 : f32 to vector<16xf32>
      %div3A_171 = arith.divf %div3A_170, %add3A_168 : vector<16xf32>
      %add3A_172 = arith.addf %div3A_171, %gather3A_40 : vector<16xf32>
      %get3A_173 = arith.constant 8 : i32
      %get3A_174 = arith.index_cast %get3A_173 : i32 to index
      %get3A_175 = arith.index_cast %mul3A_56 : i32 to index
      %get3A_176 = tpu.vector_load %arg6[%get3A_174, %get3A_175] {strides = array<i32>} : memref<16x512xf32, #tpu.memory_space<vmem>>, vector<16xf32>,
      %neg3A_177 = arith.constant 0.000000e+00 : f32
      %neg3A_178 = vector.broadcast %neg3A_177 : f32 to vector<16xf32>
      %neg3A_179 = arith.subf %neg3A_178, %get3A_176 : vector<16xf32>
      %exp3A_180 = math.exp %neg3A_179 : vector<16xf32>
      %add3A_181 = arith.constant 1.000000e+00 : f32
      %add3A_182 = vector.broadcast %add3A_181 : f32 to vector<16xf32>
      %add3A_183 = arith.addf %add3A_182, %exp3A_180 : vector<16xf32>
      %div3A_184 = arith.constant 1.000000e+00 : f32
      %div3A_185 = vector.broadcast %div3A_184 : f32 to vector<16xf32>
      %div3A_186 = arith.divf %div3A_185, %add3A_183 : vector<16xf32>
      %add3A_187 = arith.addf %div3A_186, %gather3A_41 : vector<16xf32>
      %get3A_188 = arith.constant 9 : i32
      %get3A_189 = arith.index_cast %get3A_188 : i32 to index
      %get3A_190 = arith.index_cast %mul3A_56 : i32 to index
      %get3A_191 = tpu.vector_load %arg6[%get3A_189, %get3A_190] {strides = array<i32>} : memref<16x512xf32, #tpu.memory_space<vmem>>, vector<16xf32>,
      %neg3A_192 = arith.constant 0.000000e+00 : f32
      %neg3A_193 = vector.broadcast %neg3A_192 : f32 to vector<16xf32>
      %neg3A_194 = arith.subf %neg3A_193, %get3A_191 : vector<16xf32>
      %exp3A_195 = math.exp %neg3A_194 : vector<16xf32>
      %add3A_196 = arith.constant 1.000000e+00 : f32
      %add3A_197 = vector.broadcast %add3A_196 : f32 to vector<16xf32>
      %add3A_198 = arith.addf %add3A_197, %exp3A_195 : vector<16xf32>
      %div3A_199 = arith.constant 1.000000e+00 : f32
      %div3A_200 = vector.broadcast %div3A_199 : f32 to vector<16xf32>
      %div3A_201 = arith.divf %div3A_200, %add3A_198 : vector<16xf32>
      %add3A_202 = arith.addf %div3A_201, %gather3A_42 : vector<16xf32>
      %get3A_203 = arith.constant 10 : i32
      %get3A_204 = arith.index_cast %get3A_203 : i32 to index
      %get3A_205 = arith.index_cast %mul3A_56 : i32 to index
      %get3A_206 = tpu.vector_load %arg6[%get3A_204, %get3A_205] {strides = array<i32>} : memref<16x512xf32, #tpu.memory_space<vmem>>, vector<16xf32>,
      %neg3A_207 = arith.constant 0.000000e+00 : f32
      %neg3A_208 = vector.broadcast %neg3A_207 : f32 to vector<16xf32>
      %neg3A_209 = arith.subf %neg3A_208, %get3A_206 : vector<16xf32>
      %exp3A_210 = math.exp %neg3A_209 : vector<16xf32>
      %add3A_211 = arith.constant 1.000000e+00 : f32
      %add3A_212 = vector.broadcast %add3A_211 : f32 to vector<16xf32>
      %add3A_213 = arith.addf %add3A_212, %exp3A_210 : vector<16xf32>
      %div3A_214 = arith.constant 1.000000e+00 : f32
      %div3A_215 = vector.broadcast %div3A_214 : f32 to vector<16xf32>
      %div3A_216 = arith.divf %div3A_215, %add3A_213 : vector<16xf32>
      %add3A_217 = arith.addf %div3A_216, %gather3A_43 : vector<16xf32>
      %get3A_218 = arith.constant 11 : i32
      %get3A_219 = arith.index_cast %get3A_218 : i32 to index
      %get3A_220 = arith.index_cast %mul3A_56 : i32 to index
      %get3A_221 = tpu.vector_load %arg6[%get3A_219, %get3A_220] {strides = array<i32>} : memref<16x512xf32, #tpu.memory_space<vmem>>, vector<16xf32>,
      %neg3A_222 = arith.constant 0.000000e+00 : f32
      %neg3A_223 = vector.broadcast %neg3A_222 : f32 to vector<16xf32>
      %neg3A_224 = arith.subf %neg3A_223, %get3A_221 : vector<16xf32>
      %exp3A_225 = math.exp %neg3A_224 : vector<16xf32>
      %add3A_226 = arith.constant 1.000000e+00 : f32
      %add3A_227 = vector.broadcast %add3A_226 : f32 to vector<16xf32>
      %add3A_228 = arith.addf %add3A_227, %exp3A_225 : vector<16xf32>
      %div3A_229 = arith.constant 1.000000e+00 : f32
      %div3A_230 = vector.broadcast %div3A_229 : f32 to vector<16xf32>
      %div3A_231 = arith.divf %div3A_230, %add3A_228 : vector<16xf32>
      %add3A_232 = arith.addf %div3A_231, %gather3A_44 : vector<16xf32>
      %get3A_233 = arith.constant 12 : i32
      %get3A_234 = arith.index_cast %get3A_233 : i32 to index
      %get3A_235 = arith.index_cast %mul3A_56 : i32 to index
      %get3A_236 = tpu.vector_load %arg6[%get3A_234, %get3A_235] {strides = array<i32>} : memref<16x512xf32, #tpu.memory_space<vmem>>, vector<16xf32>,
      %neg3A_237 = arith.constant 0.000000e+00 : f32
      %neg3A_238 = vector.broadcast %neg3A_237 : f32 to vector<16xf32>
      %neg3A_239 = arith.subf %neg3A_238, %get3A_236 : vector<16xf32>
      %exp3A_240 = math.exp %neg3A_239 : vector<16xf32>
      %add3A_241 = arith.constant 1.000000e+00 : f32
      %add3A_242 = vector.broadcast %add3A_241 : f32 to vector<16xf32>
      %add3A_243 = arith.addf %add3A_242, %exp3A_240 : vector<16xf32>
      %div3A_244 = arith.constant 1.000000e+00 : f32
      %div3A_245 = vector.broadcast %div3A_244 : f32 to vector<16xf32>
      %div3A_246 = arith.divf %div3A_245, %add3A_243 : vector<16xf32>
      %add3A_247 = arith.addf %div3A_246, %gather3A_45 : vector<16xf32>
      %get3A_248 = arith.constant 13 : i32
      %get3A_249 = arith.index_cast %get3A_248 : i32 to index
      %get3A_250 = arith.index_cast %mul3A_56 : i32 to index
      %get3A_251 = tpu.vector_load %arg6[%get3A_249, %get3A_250] {strides = array<i32>} : memref<16x512xf32, #tpu.memory_space<vmem>>, vector<16xf32>,
      %neg3A_252 = arith.constant 0.000000e+00 : f32
      %neg3A_253 = vector.broadcast %neg3A_252 : f32 to vector<16xf32>
      %neg3A_254 = arith.subf %neg3A_253, %get3A_251 : vector<16xf32>
      %exp3A_255 = math.exp %neg3A_254 : vector<16xf32>
      %add3A_256 = arith.constant 1.000000e+00 : f32
      %add3A_257 = vector.broadcast %add3A_256 : f32 to vector<16xf32>
      %add3A_258 = arith.addf %add3A_257, %exp3A_255 : vector<16xf32>
      %div3A_259 = arith.constant 1.000000e+00 : f32
      %div3A_260 = vector.broadcast %div3A_259 : f32 to vector<16xf32>
      %div3A_261 = arith.divf %div3A_260, %add3A_258 : vector<16xf32>
      %add3A_262 = arith.addf %div3A_261, %gather3A_46 : vector<16xf32>
      %get3A_263 = arith.constant 14 : i32
      %get3A_264 = arith.index_cast %get3A_263 : i32 to index
      %get3A_265 = arith.index_cast %mul3A_56 : i32 to index
      %get3A_266 = tpu.vector_load %arg6[%get3A_264, %get3A_265] {strides = array<i32>} : memref<16x512xf32, #tpu.memory_space<vmem>>, vector<16xf32>,
      %neg3A_267 = arith.constant 0.000000e+00 : f32
      %neg3A_268 = vector.broadcast %neg3A_267 : f32 to vector<16xf32>
      %neg3A_269 = arith.subf %neg3A_268, %get3A_266 : vector<16xf32>
      %exp3A_270 = math.exp %neg3A_269 : vector<16xf32>
      %add3A_271 = arith.constant 1.000000e+00 : f32
      %add3A_272 = vector.broadcast %add3A_271 : f32 to vector<16xf32>
      %add3A_273 = arith.addf %add3A_272, %exp3A_270 : vector<16xf32>
      %div3A_274 = arith.constant 1.000000e+00 : f32
      %div3A_275 = vector.broadcast %div3A_274 : f32 to vector<16xf32>
      %div3A_276 = arith.divf %div3A_275, %add3A_273 : vector<16xf32>
      %add3A_277 = arith.addf %div3A_276, %gather3A_47 : vector<16xf32>
      %get3A_278 = arith.constant 15 : i32
      %get3A_279 = arith.index_cast %get3A_278 : i32 to index
      %get3A_280 = arith.index_cast %mul3A_56 : i32 to index
      %get3A_281 = tpu.vector_load %arg6[%get3A_279, %get3A_280] {strides = array<i32>} : memref<16x512xf32, #tpu.memory_space<vmem>>, vector<16xf32>,
      %neg3A_282 = arith.constant 0.000000e+00 : f32
      %neg3A_283 = vector.broadcast %neg3A_282 : f32 to vector<16xf32>
      %neg3A_284 = arith.subf %neg3A_283, %get3A_281 : vector<16xf32>
      %exp3A_285 = math.exp %neg3A_284 : vector<16xf32>
      %add3A_286 = arith.constant 1.000000e+00 : f32
      %add3A_287 = vector.broadcast %add3A_286 : f32 to vector<16xf32>
      %add3A_288 = arith.addf %add3A_287, %exp3A_285 : vector<16xf32>
      %div3A_289 = arith.constant 1.000000e+00 : f32
      %div3A_290 = vector.broadcast %div3A_289 : f32 to vector<16xf32>
      %div3A_291 = arith.divf %div3A_290, %add3A_288 : vector<16xf32>
      %add3A_292 = arith.addf %div3A_291, %gather3A_48 : vector<16xf32>
      %gt3A = arith.cmpf ogt, %add3A_82, %add3A_67 : vector<16xf32>
      %select_n3A = arith.select %gt3A, %add3A_82, %add3A_67 : vector<16xi1>, vector<16xf32>
      %select_n3A_293 = arith.select %gt3A, %broadcast_in_dim3A_5, %broadcast_in_dim3A_3 : vector<16xi1>, vector<16xi32>
      %select_n3A_294 = arith.select %gt3A, %add3A_67, %add3A_82 : vector<16xi1>, vector<16xf32>
      %select_n3A_295 = arith.select %gt3A, %broadcast_in_dim3A_3, %broadcast_in_dim3A_5 : vector<16xi1>, vector<16xi32>
      %gt3A_296 = arith.cmpf ogt, %add3A_112, %add3A_97 : vector<16xf32>
      %select_n3A_297 = arith.select %gt3A_296, %add3A_112, %add3A_97 : vector<16xi1>, vector<16xf32>
      %select_n3A_298 = arith.select %gt3A_296, %broadcast_in_dim3A_9, %broadcast_in_dim3A_7 : vector<16xi1>, vector<16xi32>
      %select_n3A_299 = arith.select %gt3A_296, %add3A_97, %add3A_112 : vector<16xi1>, vector<16xf32>
      %select_n3A_300 = arith.select %gt3A_296, %broadcast_in_dim3A_7, %broadcast_in_dim3A_9 : vector<16xi1>, vector<16xi32>
      %gt3A_301 = arith.cmpf ogt, %add3A_142, %add3A_127 : vector<16xf32>
      %select_n3A_302 = arith.select %gt3A_301, %add3A_142, %add3A_127 : vector<16xi1>, vector<16xf32>
      %select_n3A_303 = arith.select %gt3A_301, %broadcast_in_dim3A_13, %broadcast_in_dim3A_11 : vector<16xi1>, vector<16xi32>
      %select_n3A_304 = arith.select %gt3A_301, %add3A_127, %add3A_142 : vector<16xi1>, vector<16xf32>
      %select_n3A_305 = arith.select %gt3A_301, %broadcast_in_dim3A_11, %broadcast_in_dim3A_13 : vector<16xi1>, vector<16xi32>
      %gt3A_306 = arith.cmpf ogt, %add3A_172, %add3A_157 : vector<16xf32>
      %select_n3A_307 = arith.select %gt3A_306, %add3A_172, %add3A_157 : vector<16xi1>, vector<16xf32>
      %select_n3A_308 = arith.select %gt3A_306, %broadcast_in_dim3A_17, %broadcast_in_dim3A_15 : vector<16xi1>, vector<16xi32>
      %select_n3A_309 = arith.select %gt3A_306, %add3A_157, %add3A_172 : vector<16xi1>, vector<16xf32>
      %select_n3A_310 = arith.select %gt3A_306, %broadcast_in_dim3A_15, %broadcast_in_dim3A_17 : vector<16xi1>, vector<16xi32>
      %gt3A_311 = arith.cmpf ogt, %add3A_202, %add3A_187 : vector<16xf32>
      %select_n3A_312 = arith.select %gt3A_311, %add3A_202, %add3A_187 : vector<16xi1>, vector<16xf32>
      %select_n3A_313 = arith.select %gt3A_311, %broadcast_in_dim3A_21, %broadcast_in_dim3A_19 : vector<16xi1>, vector<16xi32>
      %select_n3A_314 = arith.select %gt3A_311, %add3A_187, %add3A_202 : vector<16xi1>, vector<16xf32>
      %select_n3A_315 = arith.select %gt3A_311, %broadcast_in_dim3A_19, %broadcast_in_dim3A_21 : vector<16xi1>, vector<16xi32>
      %gt3A_316 = arith.cmpf ogt, %add3A_232, %add3A_217 : vector<16xf32>
      %select_n3A_317 = arith.select %gt3A_316, %add3A_232, %add3A_217 : vector<16xi1>, vector<16xf32>
      %select_n3A_318 = arith.select %gt3A_316, %broadcast_in_dim3A_25, %broadcast_in_dim3A_23 : vector<16xi1>, vector<16xi32>
      %select_n3A_319 = arith.select %gt3A_316, %add3A_217, %add3A_232 : vector<16xi1>, vector<16xf32>
      %select_n3A_320 = arith.select %gt3A_316, %broadcast_in_dim3A_23, %broadcast_in_dim3A_25 : vector<16xi1>, vector<16xi32>
      %gt3A_321 = arith.cmpf ogt, %add3A_262, %add3A_247 : vector<16xf32>
      %select_n3A_322 = arith.select %gt3A_321, %add3A_262, %add3A_247 : vector<16xi1>, vector<16xf32>
      %select_n3A_323 = arith.select %gt3A_321, %broadcast_in_dim3A_29, %broadcast_in_dim3A_27 : vector<16xi1>, vector<16xi32>
      %select_n3A_324 = arith.select %gt3A_321, %add3A_247, %add3A_262 : vector<16xi1>, vector<16xf32>
      %select_n3A_325 = arith.select %gt3A_321, %broadcast_in_dim3A_27, %broadcast_in_dim3A_29 : vector<16xi1>, vector<16xi32>
      %gt3A_326 = arith.cmpf ogt, %add3A_292, %add3A_277 : vector<16xf32>
      %select_n3A_327 = arith.select %gt3A_326, %add3A_292, %add3A_277 : vector<16xi1>, vector<16xf32>
      %select_n3A_328 = arith.select %gt3A_326, %broadcast_in_dim3A_33, %broadcast_in_dim3A_31 : vector<16xi1>, vector<16xi32>
      %select_n3A_329 = arith.select %gt3A_326, %add3A_277, %add3A_292 : vector<16xi1>, vector<16xf32>
      %select_n3A_330 = arith.select %gt3A_326, %broadcast_in_dim3A_31, %broadcast_in_dim3A_33 : vector<16xi1>, vector<16xi32>
      %gt3A_331 = arith.cmpf ogt, %select_n3A_297, %select_n3A : vector<16xf32>
      %gt3A_332 = arith.cmpf ogt, %select_n3A_297, %select_n3A_294 : vector<16xf32>
      %gt3A_333 = arith.cmpf ogt, %select_n3A_299, %select_n3A : vector<16xf32>
      %select_n3A_334 = arith.select %gt3A_331, %select_n3A_297, %select_n3A : vector<16xi1>, vector<16xf32>
      %select_n3A_335 = arith.select %gt3A_331, %select_n3A_298, %select_n3A_293 : vector<16xi1>, vector<16xi32>
      %select_n3A_336 = arith.select %gt3A_333, %select_n3A_299, %select_n3A : vector<16xi1>, vector<16xf32>
      %select_n3A_337 = arith.select %gt3A_332, %select_n3A_297, %select_n3A_294 : vector<16xi1>, vector<16xf32>
      %select_n3A_338 = arith.select %gt3A_331, %select_n3A_336, %select_n3A_337 : vector<16xi1>, vector<16xf32>
      %select_n3A_339 = arith.select %gt3A_333, %select_n3A_300, %select_n3A_293 : vector<16xi1>, vector<16xi32>
      %select_n3A_340 = arith.select %gt3A_332, %select_n3A_298, %select_n3A_295 : vector<16xi1>, vector<16xi32>
      %select_n3A_341 = arith.select %gt3A_331, %select_n3A_339, %select_n3A_340 : vector<16xi1>, vector<16xi32>
      %gt3A_342 = arith.cmpf ogt, %select_n3A_307, %select_n3A_302 : vector<16xf32>
      %gt3A_343 = arith.cmpf ogt, %select_n3A_307, %select_n3A_304 : vector<16xf32>
      %gt3A_344 = arith.cmpf ogt, %select_n3A_309, %select_n3A_302 : vector<16xf32>
      %select_n3A_345 = arith.select %gt3A_342, %select_n3A_307, %select_n3A_302 : vector<16xi1>, vector<16xf32>
      %select_n3A_346 = arith.select %gt3A_342, %select_n3A_308, %select_n3A_303 : vector<16xi1>, vector<16xi32>
      %select_n3A_347 = arith.select %gt3A_344, %select_n3A_309, %select_n3A_302 : vector<16xi1>, vector<16xf32>
      %select_n3A_348 = arith.select %gt3A_343, %select_n3A_307, %select_n3A_304 : vector<16xi1>, vector<16xf32>
      %select_n3A_349 = arith.select %gt3A_342, %select_n3A_347, %select_n3A_348 : vector<16xi1>, vector<16xf32>
      %select_n3A_350 = arith.select %gt3A_344, %select_n3A_310, %select_n3A_303 : vector<16xi1>, vector<16xi32>
      %select_n3A_351 = arith.select %gt3A_343, %select_n3A_308, %select_n3A_305 : vector<16xi1>, vector<16xi32>
      %select_n3A_352 = arith.select %gt3A_342, %select_n3A_350, %select_n3A_351 : vector<16xi1>, vector<16xi32>
      %gt3A_353 = arith.cmpf ogt, %select_n3A_317, %select_n3A_312 : vector<16xf32>
      %gt3A_354 = arith.cmpf ogt, %select_n3A_317, %select_n3A_314 : vector<16xf32>
      %gt3A_355 = arith.cmpf ogt, %select_n3A_319, %select_n3A_312 : vector<16xf32>
      %select_n3A_356 = arith.select %gt3A_353, %select_n3A_317, %select_n3A_312 : vector<16xi1>, vector<16xf32>
      %select_n3A_357 = arith.select %gt3A_353, %select_n3A_318, %select_n3A_313 : vector<16xi1>, vector<16xi32>
      %select_n3A_358 = arith.select %gt3A_355, %select_n3A_319, %select_n3A_312 : vector<16xi1>, vector<16xf32>
      %select_n3A_359 = arith.select %gt3A_354, %select_n3A_317, %select_n3A_314 : vector<16xi1>, vector<16xf32>
      %select_n3A_360 = arith.select %gt3A_353, %select_n3A_358, %select_n3A_359 : vector<16xi1>, vector<16xf32>
      %select_n3A_361 = arith.select %gt3A_355, %select_n3A_320, %select_n3A_313 : vector<16xi1>, vector<16xi32>
      %select_n3A_362 = arith.select %gt3A_354, %select_n3A_318, %select_n3A_315 : vector<16xi1>, vector<16xi32>
      %select_n3A_363 = arith.select %gt3A_353, %select_n3A_361, %select_n3A_362 : vector<16xi1>, vector<16xi32>
      %gt3A_364 = arith.cmpf ogt, %select_n3A_327, %select_n3A_322 : vector<16xf32>
      %gt3A_365 = arith.cmpf ogt, %select_n3A_327, %select_n3A_324 : vector<16xf32>
      %gt3A_366 = arith.cmpf ogt, %select_n3A_329, %select_n3A_322 : vector<16xf32>
      %select_n3A_367 = arith.select %gt3A_364, %select_n3A_327, %select_n3A_322 : vector<16xi1>, vector<16xf32>
      %select_n3A_368 = arith.select %gt3A_364, %select_n3A_328, %select_n3A_323 : vector<16xi1>, vector<16xi32>
      %select_n3A_369 = arith.select %gt3A_366, %select_n3A_329, %select_n3A_322 : vector<16xi1>, vector<16xf32>
      %select_n3A_370 = arith.select %gt3A_365, %select_n3A_327, %select_n3A_324 : vector<16xi1>, vector<16xf32>
      %select_n3A_371 = arith.select %gt3A_364, %select_n3A_369, %select_n3A_370 : vector<16xi1>, vector<16xf32>
      %select_n3A_372 = arith.select %gt3A_366, %select_n3A_330, %select_n3A_323 : vector<16xi1>, vector<16xi32>
      %select_n3A_373 = arith.select %gt3A_365, %select_n3A_328, %select_n3A_325 : vector<16xi1>, vector<16xi32>
      %select_n3A_374 = arith.select %gt3A_364, %select_n3A_372, %select_n3A_373 : vector<16xi1>, vector<16xi32>
      %gt3A_375 = arith.cmpf ogt, %select_n3A_345, %select_n3A_334 : vector<16xf32>
      %gt3A_376 = arith.cmpf ogt, %select_n3A_345, %select_n3A_338 : vector<16xf32>
      %gt3A_377 = arith.cmpf ogt, %select_n3A_349, %select_n3A_334 : vector<16xf32>
      %select_n3A_378 = arith.select %gt3A_375, %select_n3A_345, %select_n3A_334 : vector<16xi1>, vector<16xf32>
      %select_n3A_379 = arith.select %gt3A_375, %select_n3A_346, %select_n3A_335 : vector<16xi1>, vector<16xi32>
      %select_n3A_380 = arith.select %gt3A_377, %select_n3A_349, %select_n3A_334 : vector<16xi1>, vector<16xf32>
      %select_n3A_381 = arith.select %gt3A_376, %select_n3A_345, %select_n3A_338 : vector<16xi1>, vector<16xf32>
      %select_n3A_382 = arith.select %gt3A_375, %select_n3A_380, %select_n3A_381 : vector<16xi1>, vector<16xf32>
      %select_n3A_383 = arith.select %gt3A_377, %select_n3A_352, %select_n3A_335 : vector<16xi1>, vector<16xi32>
      %select_n3A_384 = arith.select %gt3A_376, %select_n3A_346, %select_n3A_341 : vector<16xi1>, vector<16xi32>
      %select_n3A_385 = arith.select %gt3A_375, %select_n3A_383, %select_n3A_384 : vector<16xi1>, vector<16xi32>
      %gt3A_386 = arith.cmpf ogt, %select_n3A_367, %select_n3A_356 : vector<16xf32>
      %gt3A_387 = arith.cmpf ogt, %select_n3A_367, %select_n3A_360 : vector<16xf32>
      %gt3A_388 = arith.cmpf ogt, %select_n3A_371, %select_n3A_356 : vector<16xf32>
      %select_n3A_389 = arith.select %gt3A_386, %select_n3A_367, %select_n3A_356 : vector<16xi1>, vector<16xf32>
      %select_n3A_390 = arith.select %gt3A_386, %select_n3A_368, %select_n3A_357 : vector<16xi1>, vector<16xi32>
      %select_n3A_391 = arith.select %gt3A_388, %select_n3A_371, %select_n3A_356 : vector<16xi1>, vector<16xf32>
      %select_n3A_392 = arith.select %gt3A_387, %select_n3A_367, %select_n3A_360 : vector<16xi1>, vector<16xf32>
      %select_n3A_393 = arith.select %gt3A_386, %select_n3A_391, %select_n3A_392 : vector<16xi1>, vector<16xf32>
      %select_n3A_394 = arith.select %gt3A_388, %select_n3A_374, %select_n3A_357 : vector<16xi1>, vector<16xi32>
      %select_n3A_395 = arith.select %gt3A_387, %select_n3A_368, %select_n3A_363 : vector<16xi1>, vector<16xi32>
      %select_n3A_396 = arith.select %gt3A_386, %select_n3A_394, %select_n3A_395 : vector<16xi1>, vector<16xi32>
      %gt3A_397 = arith.cmpf ogt, %select_n3A_389, %select_n3A_378 : vector<16xf32>
      %gt3A_398 = arith.cmpf ogt, %select_n3A_389, %select_n3A_382 : vector<16xf32>
      %gt3A_399 = arith.cmpf ogt, %select_n3A_393, %select_n3A_378 : vector<16xf32>
      %select_n3A_400 = arith.select %gt3A_397, %select_n3A_389, %select_n3A_378 : vector<16xi1>, vector<16xf32>
      %select_n3A_401 = arith.select %gt3A_397, %select_n3A_390, %select_n3A_379 : vector<16xi1>, vector<16xi32>
      %select_n3A_402 = arith.select %gt3A_399, %select_n3A_393, %select_n3A_378 : vector<16xi1>, vector<16xf32>
      %select_n3A_403 = arith.select %gt3A_398, %select_n3A_389, %select_n3A_382 : vector<16xi1>, vector<16xf32>
      %select_n3A_404 = arith.select %gt3A_397, %select_n3A_402, %select_n3A_403 : vector<16xi1>, vector<16xf32>
      %select_n3A_405 = arith.select %gt3A_399, %select_n3A_396, %select_n3A_379 : vector<16xi1>, vector<16xi32>
      %select_n3A_406 = arith.select %gt3A_398, %select_n3A_390, %select_n3A_385 : vector<16xi1>, vector<16xi32>
      %select_n3A_407 = arith.select %gt3A_397, %select_n3A_405, %select_n3A_406 : vector<16xi1>, vector<16xi32>
      %gather3A_408 = tpu.vector_load_idx %arg7[%select_n3A_401] : memref<16xf32, #tpu.memory_space<vmem>>[vector<16xi32>], vector<16xf32>,
      %sub3A = arith.subf %select_n3A_400, %gather3A_408 : vector<16xf32>
      %gather3A_409 = tpu.vector_load_idx %arg7[%select_n3A_407] : memref<16xf32, #tpu.memory_space<vmem>>[vector<16xi32>], vector<16xf32>,
      %sub3A_410 = arith.subf %select_n3A_404, %gather3A_409 : vector<16xf32>
      %add3A_411 = arith.addf %sub3A, %sub3A_410 : vector<16xf32>
      %max3A = arith.constant 9.99999996E-13 : f32
      %max3A_412 = vector.broadcast %max3A : f32 to vector<16xf32>
      %max3A_413 = arith.maximumf %add3A_411, %max3A_412 : vector<16xf32>
      %div3A_414 = arith.constant 1.000000e+00 : f32
      %div3A_415 = vector.broadcast %div3A_414 : f32 to vector<16xf32>
      %div3A_416 = arith.divf %div3A_415, %max3A_413 : vector<16xf32>
      %mul3A_417 = arith.mulf %sub3A, %div3A_416 : vector<16xf32>
      %swap3A = arith.constant 0 : i32
      %swap3A_418 = arith.index_cast %swap3A : i32 to index
      %swap3A_419 = arith.index_cast %mul3A_56 : i32 to index
      %swap3A_420 = tpu.vector_load %arg8[%swap3A_418, %swap3A_419] {strides = array<i32>} : memref<2x512xf32, #tpu.memory_space<vmem>>, vector<16xf32>,
      tpu.vector_store %arg8[%swap3A_418, %swap3A_419], %mul3A_417 {strides = array<i32>} : memref<2x512xf32, #tpu.memory_space<vmem>>, vector<16xf32>,
      %mul3A_421 = arith.mulf %sub3A_410, %div3A_416 : vector<16xf32>
      %swap3A_422 = arith.constant 1 : i32
      %swap3A_423 = arith.index_cast %swap3A_422 : i32 to index
      %swap3A_424 = arith.index_cast %mul3A_56 : i32 to index
      %swap3A_425 = tpu.vector_load %arg8[%swap3A_423, %swap3A_424] {strides = array<i32>} : memref<2x512xf32, #tpu.memory_space<vmem>>, vector<16xf32>,
      tpu.vector_store %arg8[%swap3A_423, %swap3A_424], %mul3A_421 {strides = array<i32>} : memref<2x512xf32, #tpu.memory_space<vmem>>, vector<16xf32>,
      %swap3A_426 = arith.constant 0 : i32
      %swap3A_427 = arith.index_cast %swap3A_426 : i32 to index
      %swap3A_428 = arith.index_cast %mul3A_56 : i32 to index
      %swap3A_429 = tpu.vector_load %arg9[%swap3A_427, %swap3A_428] {strides = array<i32>} : memref<2x512xi32, #tpu.memory_space<vmem>>, vector<16xi32>,
      tpu.vector_store %arg9[%swap3A_427, %swap3A_428], %select_n3A_401 {strides = array<i32>} : memref<2x512xi32, #tpu.memory_space<vmem>>, vector<16xi32>,
      %swap3A_430 = arith.constant 1 : i32
      %swap3A_431 = arith.index_cast %swap3A_430 : i32 to index
      %swap3A_432 = arith.index_cast %mul3A_56 : i32 to index
      %swap3A_433 = tpu.vector_load %arg9[%swap3A_431, %swap3A_432] {strides = array<i32>} : memref<2x512xi32, #tpu.memory_space<vmem>>, vector<16xi32>,
      tpu.vector_store %arg9[%swap3A_431, %swap3A_432], %select_n3A_407 {strides = array<i32>} : memref<2x512xi32, #tpu.memory_space<vmem>>, vector<16xi32>,
      %scan3A_434 = arith.constant 1 : i32
      %scan3A_435 = arith.addi %scan3A_54, %scan3A_434 : i32
      %mul3A_436 = arith.constant 16 : i32
      %mul3A_437 = arith.muli %scan3A_435, %mul3A_436 : i32
      %get3A_438 = arith.constant 0 : i32
      %get3A_439 = arith.index_cast %get3A_438 : i32 to index
      %get3A_440 = arith.index_cast %mul3A_437 : i32 to index
      %get3A_441 = tpu.vector_load %arg6[%get3A_439, %get3A_440] {strides = array<i32>} : memref<16x512xf32, #tpu.memory_space<vmem>>, vector<16xf32>,
      %neg3A_442 = arith.constant 0.000000e+00 : f32
      %neg3A_443 = vector.broadcast %neg3A_442 : f32 to vector<16xf32>
      %neg3A_444 = arith.subf %neg3A_443, %get3A_441 : vector<16xf32>
      %exp3A_445 = math.exp %neg3A_444 : vector<16xf32>
      %add3A_446 = arith.constant 1.000000e+00 : f32
      %add3A_447 = vector.broadcast %add3A_446 : f32 to vector<16xf32>
      %add3A_448 = arith.addf %add3A_447, %exp3A_445 : vector<16xf32>
      %div3A_449 = arith.constant 1.000000e+00 : f32
      %div3A_450 = vector.broadcast %div3A_449 : f32 to vector<16xf32>
      %div3A_451 = arith.divf %div3A_450, %add3A_448 : vector<16xf32>
      %add3A_452 = arith.addf %div3A_451, %gather3A : vector<16xf32>
      %get3A_453 = arith.constant 1 : i32
      %get3A_454 = arith.index_cast %get3A_453 : i32 to index
      %get3A_455 = arith.index_cast %mul3A_437 : i32 to index
      %get3A_456 = tpu.vector_load %arg6[%get3A_454, %get3A_455] {strides = array<i32>} : memref<16x512xf32, #tpu.memory_space<vmem>>, vector<16xf32>,
      %neg3A_457 = arith.constant 0.000000e+00 : f32
      %neg3A_458 = vector.broadcast %neg3A_457 : f32 to vector<16xf32>
      %neg3A_459 = arith.subf %neg3A_458, %get3A_456 : vector<16xf32>
      %exp3A_460 = math.exp %neg3A_459 : vector<16xf32>
      %add3A_461 = arith.constant 1.000000e+00 : f32
      %add3A_462 = vector.broadcast %add3A_461 : f32 to vector<16xf32>
      %add3A_463 = arith.addf %add3A_462, %exp3A_460 : vector<16xf32>
      %div3A_464 = arith.constant 1.000000e+00 : f32
      %div3A_465 = vector.broadcast %div3A_464 : f32 to vector<16xf32>
      %div3A_466 = arith.divf %div3A_465, %add3A_463 : vector<16xf32>
      %add3A_467 = arith.addf %div3A_466, %gather3A_34 : vector<16xf32>
      %get3A_468 = arith.constant 2 : i32
      %get3A_469 = arith.index_cast %get3A_468 : i32 to index
      %get3A_470 = arith.index_cast %mul3A_437 : i32 to index
      %get3A_471 = tpu.vector_load %arg6[%get3A_469, %get3A_470] {strides = array<i32>} : memref<16x512xf32, #tpu.memory_space<vmem>>, vector<16xf32>,
      %neg3A_472 = arith.constant 0.000000e+00 : f32
      %neg3A_473 = vector.broadcast %neg3A_472 : f32 to vector<16xf32>
      %neg3A_474 = arith.subf %neg3A_473, %get3A_471 : vector<16xf32>
      %exp3A_475 = math.exp %neg3A_474 : vector<16xf32>
      %add3A_476 = arith.constant 1.000000e+00 : f32
      %add3A_477 = vector.broadcast %add3A_476 : f32 to vector<16xf32>
      %add3A_478 = arith.addf %add3A_477, %exp3A_475 : vector<16xf32>
      %div3A_479 = arith.constant 1.000000e+00 : f32
      %div3A_480 = vector.broadcast %div3A_479 : f32 to vector<16xf32>
      %div3A_481 = arith.divf %div3A_480, %add3A_478 : vector<16xf32>
      %add3A_482 = arith.addf %div3A_481, %gather3A_35 : vector<16xf32>
      %get3A_483 = arith.constant 3 : i32
      %get3A_484 = arith.index_cast %get3A_483 : i32 to index
      %get3A_485 = arith.index_cast %mul3A_437 : i32 to index
      %get3A_486 = tpu.vector_load %arg6[%get3A_484, %get3A_485] {strides = array<i32>} : memref<16x512xf32, #tpu.memory_space<vmem>>, vector<16xf32>,
      %neg3A_487 = arith.constant 0.000000e+00 : f32
      %neg3A_488 = vector.broadcast %neg3A_487 : f32 to vector<16xf32>
      %neg3A_489 = arith.subf %neg3A_488, %get3A_486 : vector<16xf32>
      %exp3A_490 = math.exp %neg3A_489 : vector<16xf32>
      %add3A_491 = arith.constant 1.000000e+00 : f32
      %add3A_492 = vector.broadcast %add3A_491 : f32 to vector<16xf32>
      %add3A_493 = arith.addf %add3A_492, %exp3A_490 : vector<16xf32>
      %div3A_494 = arith.constant 1.000000e+00 : f32
      %div3A_495 = vector.broadcast %div3A_494 : f32 to vector<16xf32>
      %div3A_496 = arith.divf %div3A_495, %add3A_493 : vector<16xf32>
      %add3A_497 = arith.addf %div3A_496, %gather3A_36 : vector<16xf32>
      %get3A_498 = arith.constant 4 : i32
      %get3A_499 = arith.index_cast %get3A_498 : i32 to index
      %get3A_500 = arith.index_cast %mul3A_437 : i32 to index
      %get3A_501 = tpu.vector_load %arg6[%get3A_499, %get3A_500] {strides = array<i32>} : memref<16x512xf32, #tpu.memory_space<vmem>>, vector<16xf32>,
      %neg3A_502 = arith.constant 0.000000e+00 : f32
      %neg3A_503 = vector.broadcast %neg3A_502 : f32 to vector<16xf32>
      %neg3A_504 = arith.subf %neg3A_503, %get3A_501 : vector<16xf32>
      %exp3A_505 = math.exp %neg3A_504 : vector<16xf32>
      %add3A_506 = arith.constant 1.000000e+00 : f32
      %add3A_507 = vector.broadcast %add3A_506 : f32 to vector<16xf32>
      %add3A_508 = arith.addf %add3A_507, %exp3A_505 : vector<16xf32>
      %div3A_509 = arith.constant 1.000000e+00 : f32
      %div3A_510 = vector.broadcast %div3A_509 : f32 to vector<16xf32>
      %div3A_511 = arith.divf %div3A_510, %add3A_508 : vector<16xf32>
      %add3A_512 = arith.addf %div3A_511, %gather3A_37 : vector<16xf32>
      %get3A_513 = arith.constant 5 : i32
      %get3A_514 = arith.index_cast %get3A_513 : i32 to index
      %get3A_515 = arith.index_cast %mul3A_437 : i32 to index
      %get3A_516 = tpu.vector_load %arg6[%get3A_514, %get3A_515] {strides = array<i32>} : memref<16x512xf32, #tpu.memory_space<vmem>>, vector<16xf32>,
      %neg3A_517 = arith.constant 0.000000e+00 : f32
      %neg3A_518 = vector.broadcast %neg3A_517 : f32 to vector<16xf32>
      %neg3A_519 = arith.subf %neg3A_518, %get3A_516 : vector<16xf32>
      %exp3A_520 = math.exp %neg3A_519 : vector<16xf32>
      %add3A_521 = arith.constant 1.000000e+00 : f32
      %add3A_522 = vector.broadcast %add3A_521 : f32 to vector<16xf32>
      %add3A_523 = arith.addf %add3A_522, %exp3A_520 : vector<16xf32>
      %div3A_524 = arith.constant 1.000000e+00 : f32
      %div3A_525 = vector.broadcast %div3A_524 : f32 to vector<16xf32>
      %div3A_526 = arith.divf %div3A_525, %add3A_523 : vector<16xf32>
      %add3A_527 = arith.addf %div3A_526, %gather3A_38 : vector<16xf32>
      %get3A_528 = arith.constant 6 : i32
      %get3A_529 = arith.index_cast %get3A_528 : i32 to index
      %get3A_530 = arith.index_cast %mul3A_437 : i32 to index
      %get3A_531 = tpu.vector_load %arg6[%get3A_529, %get3A_530] {strides = array<i32>} : memref<16x512xf32, #tpu.memory_space<vmem>>, vector<16xf32>,
      %neg3A_532 = arith.constant 0.000000e+00 : f32
      %neg3A_533 = vector.broadcast %neg3A_532 : f32 to vector<16xf32>
      %neg3A_534 = arith.subf %neg3A_533, %get3A_531 : vector<16xf32>
      %exp3A_535 = math.exp %neg3A_534 : vector<16xf32>
      %add3A_536 = arith.constant 1.000000e+00 : f32
      %add3A_537 = vector.broadcast %add3A_536 : f32 to vector<16xf32>
      %add3A_538 = arith.addf %add3A_537, %exp3A_535 : vector<16xf32>
      %div3A_539 = arith.constant 1.000000e+00 : f32
      %div3A_540 = vector.broadcast %div3A_539 : f32 to vector<16xf32>
      %div3A_541 = arith.divf %div3A_540, %add3A_538 : vector<16xf32>
      %add3A_542 = arith.addf %div3A_541, %gather3A_39 : vector<16xf32>
      %get3A_543 = arith.constant 7 : i32
      %get3A_544 = arith.index_cast %get3A_543 : i32 to index
      %get3A_545 = arith.index_cast %mul3A_437 : i32 to index
      %get3A_546 = tpu.vector_load %arg6[%get3A_544, %get3A_545] {strides = array<i32>} : memref<16x512xf32, #tpu.memory_space<vmem>>, vector<16xf32>,
      %neg3A_547 = arith.constant 0.000000e+00 : f32
      %neg3A_548 = vector.broadcast %neg3A_547 : f32 to vector<16xf32>
      %neg3A_549 = arith.subf %neg3A_548, %get3A_546 : vector<16xf32>
      %exp3A_550 = math.exp %neg3A_549 : vector<16xf32>
      %add3A_551 = arith.constant 1.000000e+00 : f32
      %add3A_552 = vector.broadcast %add3A_551 : f32 to vector<16xf32>
      %add3A_553 = arith.addf %add3A_552, %exp3A_550 : vector<16xf32>
      %div3A_554 = arith.constant 1.000000e+00 : f32
      %div3A_555 = vector.broadcast %div3A_554 : f32 to vector<16xf32>
      %div3A_556 = arith.divf %div3A_555, %add3A_553 : vector<16xf32>
      %add3A_557 = arith.addf %div3A_556, %gather3A_40 : vector<16xf32>
      %get3A_558 = arith.constant 8 : i32
      %get3A_559 = arith.index_cast %get3A_558 : i32 to index
      %get3A_560 = arith.index_cast %mul3A_437 : i32 to index
      %get3A_561 = tpu.vector_load %arg6[%get3A_559, %get3A_560] {strides = array<i32>} : memref<16x512xf32, #tpu.memory_space<vmem>>, vector<16xf32>,
      %neg3A_562 = arith.constant 0.000000e+00 : f32
      %neg3A_563 = vector.broadcast %neg3A_562 : f32 to vector<16xf32>
      %neg3A_564 = arith.subf %neg3A_563, %get3A_561 : vector<16xf32>
      %exp3A_565 = math.exp %neg3A_564 : vector<16xf32>
      %add3A_566 = arith.constant 1.000000e+00 : f32
      %add3A_567 = vector.broadcast %add3A_566 : f32 to vector<16xf32>
      %add3A_568 = arith.addf %add3A_567, %exp3A_565 : vector<16xf32>
      %div3A_569 = arith.constant 1.000000e+00 : f32
      %div3A_570 = vector.broadcast %div3A_569 : f32 to vector<16xf32>
      %div3A_571 = arith.divf %div3A_570, %add3A_568 : vector<16xf32>
      %add3A_572 = arith.addf %div3A_571, %gather3A_41 : vector<16xf32>
      %get3A_573 = arith.constant 9 : i32
      %get3A_574 = arith.index_cast %get3A_573 : i32 to index
      %get3A_575 = arith.index_cast %mul3A_437 : i32 to index
      %get3A_576 = tpu.vector_load %arg6[%get3A_574, %get3A_575] {strides = array<i32>} : memref<16x512xf32, #tpu.memory_space<vmem>>, vector<16xf32>,
      %neg3A_577 = arith.constant 0.000000e+00 : f32
      %neg3A_578 = vector.broadcast %neg3A_577 : f32 to vector<16xf32>
      %neg3A_579 = arith.subf %neg3A_578, %get3A_576 : vector<16xf32>
      %exp3A_580 = math.exp %neg3A_579 : vector<16xf32>
      %add3A_581 = arith.constant 1.000000e+00 : f32
      %add3A_582 = vector.broadcast %add3A_581 : f32 to vector<16xf32>
      %add3A_583 = arith.addf %add3A_582, %exp3A_580 : vector<16xf32>
      %div3A_584 = arith.constant 1.000000e+00 : f32
      %div3A_585 = vector.broadcast %div3A_584 : f32 to vector<16xf32>
      %div3A_586 = arith.divf %div3A_585, %add3A_583 : vector<16xf32>
      %add3A_587 = arith.addf %div3A_586, %gather3A_42 : vector<16xf32>
      %get3A_588 = arith.constant 10 : i32
      %get3A_589 = arith.index_cast %get3A_588 : i32 to index
      %get3A_590 = arith.index_cast %mul3A_437 : i32 to index
      %get3A_591 = tpu.vector_load %arg6[%get3A_589, %get3A_590] {strides = array<i32>} : memref<16x512xf32, #tpu.memory_space<vmem>>, vector<16xf32>,
      %neg3A_592 = arith.constant 0.000000e+00 : f32
      %neg3A_593 = vector.broadcast %neg3A_592 : f32 to vector<16xf32>
      %neg3A_594 = arith.subf %neg3A_593, %get3A_591 : vector<16xf32>
      %exp3A_595 = math.exp %neg3A_594 : vector<16xf32>
      %add3A_596 = arith.constant 1.000000e+00 : f32
      %add3A_597 = vector.broadcast %add3A_596 : f32 to vector<16xf32>
      %add3A_598 = arith.addf %add3A_597, %exp3A_595 : vector<16xf32>
      %div3A_599 = arith.constant 1.000000e+00 : f32
      %div3A_600 = vector.broadcast %div3A_599 : f32 to vector<16xf32>
      %div3A_601 = arith.divf %div3A_600, %add3A_598 : vector<16xf32>
      %add3A_602 = arith.addf %div3A_601, %gather3A_43 : vector<16xf32>
      %get3A_603 = arith.constant 11 : i32
      %get3A_604 = arith.index_cast %get3A_603 : i32 to index
      %get3A_605 = arith.index_cast %mul3A_437 : i32 to index
      %get3A_606 = tpu.vector_load %arg6[%get3A_604, %get3A_605] {strides = array<i32>} : memref<16x512xf32, #tpu.memory_space<vmem>>, vector<16xf32>,
      %neg3A_607 = arith.constant 0.000000e+00 : f32
      %neg3A_608 = vector.broadcast %neg3A_607 : f32 to vector<16xf32>
      %neg3A_609 = arith.subf %neg3A_608, %get3A_606 : vector<16xf32>
      %exp3A_610 = math.exp %neg3A_609 : vector<16xf32>
      %add3A_611 = arith.constant 1.000000e+00 : f32
      %add3A_612 = vector.broadcast %add3A_611 : f32 to vector<16xf32>
      %add3A_613 = arith.addf %add3A_612, %exp3A_610 : vector<16xf32>
      %div3A_614 = arith.constant 1.000000e+00 : f32
      %div3A_615 = vector.broadcast %div3A_614 : f32 to vector<16xf32>
      %div3A_616 = arith.divf %div3A_615, %add3A_613 : vector<16xf32>
      %add3A_617 = arith.addf %div3A_616, %gather3A_44 : vector<16xf32>
      %get3A_618 = arith.constant 12 : i32
      %get3A_619 = arith.index_cast %get3A_618 : i32 to index
      %get3A_620 = arith.index_cast %mul3A_437 : i32 to index
      %get3A_621 = tpu.vector_load %arg6[%get3A_619, %get3A_620] {strides = array<i32>} : memref<16x512xf32, #tpu.memory_space<vmem>>, vector<16xf32>,
      %neg3A_622 = arith.constant 0.000000e+00 : f32
      %neg3A_623 = vector.broadcast %neg3A_622 : f32 to vector<16xf32>
      %neg3A_624 = arith.subf %neg3A_623, %get3A_621 : vector<16xf32>
      %exp3A_625 = math.exp %neg3A_624 : vector<16xf32>
      %add3A_626 = arith.constant 1.000000e+00 : f32
      %add3A_627 = vector.broadcast %add3A_626 : f32 to vector<16xf32>
      %add3A_628 = arith.addf %add3A_627, %exp3A_625 : vector<16xf32>
      %div3A_629 = arith.constant 1.000000e+00 : f32
      %div3A_630 = vector.broadcast %div3A_629 : f32 to vector<16xf32>
      %div3A_631 = arith.divf %div3A_630, %add3A_628 : vector<16xf32>
      %add3A_632 = arith.addf %div3A_631, %gather3A_45 : vector<16xf32>
      %get3A_633 = arith.constant 13 : i32
      %get3A_634 = arith.index_cast %get3A_633 : i32 to index
      %get3A_635 = arith.index_cast %mul3A_437 : i32 to index
      %get3A_636 = tpu.vector_load %arg6[%get3A_634, %get3A_635] {strides = array<i32>} : memref<16x512xf32, #tpu.memory_space<vmem>>, vector<16xf32>,
      %neg3A_637 = arith.constant 0.000000e+00 : f32
      %neg3A_638 = vector.broadcast %neg3A_637 : f32 to vector<16xf32>
      %neg3A_639 = arith.subf %neg3A_638, %get3A_636 : vector<16xf32>
      %exp3A_640 = math.exp %neg3A_639 : vector<16xf32>
      %add3A_641 = arith.constant 1.000000e+00 : f32
      %add3A_642 = vector.broadcast %add3A_641 : f32 to vector<16xf32>
      %add3A_643 = arith.addf %add3A_642, %exp3A_640 : vector<16xf32>
      %div3A_644 = arith.constant 1.000000e+00 : f32
      %div3A_645 = vector.broadcast %div3A_644 : f32 to vector<16xf32>
      %div3A_646 = arith.divf %div3A_645, %add3A_643 : vector<16xf32>
      %add3A_647 = arith.addf %div3A_646, %gather3A_46 : vector<16xf32>
      %get3A_648 = arith.constant 14 : i32
      %get3A_649 = arith.index_cast %get3A_648 : i32 to index
      %get3A_650 = arith.index_cast %mul3A_437 : i32 to index
      %get3A_651 = tpu.vector_load %arg6[%get3A_649, %get3A_650] {strides = array<i32>} : memref<16x512xf32, #tpu.memory_space<vmem>>, vector<16xf32>,
      %neg3A_652 = arith.constant 0.000000e+00 : f32
      %neg3A_653 = vector.broadcast %neg3A_652 : f32 to vector<16xf32>
      %neg3A_654 = arith.subf %neg3A_653, %get3A_651 : vector<16xf32>
      %exp3A_655 = math.exp %neg3A_654 : vector<16xf32>
      %add3A_656 = arith.constant 1.000000e+00 : f32
      %add3A_657 = vector.broadcast %add3A_656 : f32 to vector<16xf32>
      %add3A_658 = arith.addf %add3A_657, %exp3A_655 : vector<16xf32>
      %div3A_659 = arith.constant 1.000000e+00 : f32
      %div3A_660 = vector.broadcast %div3A_659 : f32 to vector<16xf32>
      %div3A_661 = arith.divf %div3A_660, %add3A_658 : vector<16xf32>
      %add3A_662 = arith.addf %div3A_661, %gather3A_47 : vector<16xf32>
      %get3A_663 = arith.constant 15 : i32
      %get3A_664 = arith.index_cast %get3A_663 : i32 to index
      %get3A_665 = arith.index_cast %mul3A_437 : i32 to index
      %get3A_666 = tpu.vector_load %arg6[%get3A_664, %get3A_665] {strides = array<i32>} : memref<16x512xf32, #tpu.memory_space<vmem>>, vector<16xf32>,
      %neg3A_667 = arith.constant 0.000000e+00 : f32
      %neg3A_668 = vector.broadcast %neg3A_667 : f32 to vector<16xf32>
      %neg3A_669 = arith.subf %neg3A_668, %get3A_666 : vector<16xf32>
      %exp3A_670 = math.exp %neg3A_669 : vector<16xf32>
      %add3A_671 = arith.constant 1.000000e+00 : f32
      %add3A_672 = vector.broadcast %add3A_671 : f32 to vector<16xf32>
      %add3A_673 = arith.addf %add3A_672, %exp3A_670 : vector<16xf32>
      %div3A_674 = arith.constant 1.000000e+00 : f32
      %div3A_675 = vector.broadcast %div3A_674 : f32 to vector<16xf32>
      %div3A_676 = arith.divf %div3A_675, %add3A_673 : vector<16xf32>
      %add3A_677 = arith.addf %div3A_676, %gather3A_48 : vector<16xf32>
      %gt3A_678 = arith.cmpf ogt, %add3A_467, %add3A_452 : vector<16xf32>
      %select_n3A_679 = arith.select %gt3A_678, %add3A_467, %add3A_452 : vector<16xi1>, vector<16xf32>
      %select_n3A_680 = arith.select %gt3A_678, %broadcast_in_dim3A_5, %broadcast_in_dim3A_3 : vector<16xi1>, vector<16xi32>
      %select_n3A_681 = arith.select %gt3A_678, %add3A_452, %add3A_467 : vector<16xi1>, vector<16xf32>
      %select_n3A_682 = arith.select %gt3A_678, %broadcast_in_dim3A_3, %broadcast_in_dim3A_5 : vector<16xi1>, vector<16xi32>
      %gt3A_683 = arith.cmpf ogt, %add3A_497, %add3A_482 : vector<16xf32>
      %select_n3A_684 = arith.select %gt3A_683, %add3A_497, %add3A_482 : vector<16xi1>, vector<16xf32>
      %select_n3A_685 = arith.select %gt3A_683, %broadcast_in_dim3A_9, %broadcast_in_dim3A_7 : vector<16xi1>, vector<16xi32>
      %select_n3A_686 = arith.select %gt3A_683, %add3A_482, %add3A_497 : vector<16xi1>, vector<16xf32>
      %select_n3A_687 = arith.select %gt3A_683, %broadcast_in_dim3A_7, %broadcast_in_dim3A_9 : vector<16xi1>, vector<16xi32>
      %gt3A_688 = arith.cmpf ogt, %add3A_527, %add3A_512 : vector<16xf32>
      %select_n3A_689 = arith.select %gt3A_688, %add3A_527, %add3A_512 : vector<16xi1>, vector<16xf32>
      %select_n3A_690 = arith.select %gt3A_688, %broadcast_in_dim3A_13, %broadcast_in_dim3A_11 : vector<16xi1>, vector<16xi32>
      %select_n3A_691 = arith.select %gt3A_688, %add3A_512, %add3A_527 : vector<16xi1>, vector<16xf32>
      %select_n3A_692 = arith.select %gt3A_688, %broadcast_in_dim3A_11, %broadcast_in_dim3A_13 : vector<16xi1>, vector<16xi32>
      %gt3A_693 = arith.cmpf ogt, %add3A_557, %add3A_542 : vector<16xf32>
      %select_n3A_694 = arith.select %gt3A_693, %add3A_557, %add3A_542 : vector<16xi1>, vector<16xf32>
      %select_n3A_695 = arith.select %gt3A_693, %broadcast_in_dim3A_17, %broadcast_in_dim3A_15 : vector<16xi1>, vector<16xi32>
      %select_n3A_696 = arith.select %gt3A_693, %add3A_542, %add3A_557 : vector<16xi1>, vector<16xf32>
      %select_n3A_697 = arith.select %gt3A_693, %broadcast_in_dim3A_15, %broadcast_in_dim3A_17 : vector<16xi1>, vector<16xi32>
      %gt3A_698 = arith.cmpf ogt, %add3A_587, %add3A_572 : vector<16xf32>
      %select_n3A_699 = arith.select %gt3A_698, %add3A_587, %add3A_572 : vector<16xi1>, vector<16xf32>
      %select_n3A_700 = arith.select %gt3A_698, %broadcast_in_dim3A_21, %broadcast_in_dim3A_19 : vector<16xi1>, vector<16xi32>
      %select_n3A_701 = arith.select %gt3A_698, %add3A_572, %add3A_587 : vector<16xi1>, vector<16xf32>
      %select_n3A_702 = arith.select %gt3A_698, %broadcast_in_dim3A_19, %broadcast_in_dim3A_21 : vector<16xi1>, vector<16xi32>
      %gt3A_703 = arith.cmpf ogt, %add3A_617, %add3A_602 : vector<16xf32>
      %select_n3A_704 = arith.select %gt3A_703, %add3A_617, %add3A_602 : vector<16xi1>, vector<16xf32>
      %select_n3A_705 = arith.select %gt3A_703, %broadcast_in_dim3A_25, %broadcast_in_dim3A_23 : vector<16xi1>, vector<16xi32>
      %select_n3A_706 = arith.select %gt3A_703, %add3A_602, %add3A_617 : vector<16xi1>, vector<16xf32>
      %select_n3A_707 = arith.select %gt3A_703, %broadcast_in_dim3A_23, %broadcast_in_dim3A_25 : vector<16xi1>, vector<16xi32>
      %gt3A_708 = arith.cmpf ogt, %add3A_647, %add3A_632 : vector<16xf32>
      %select_n3A_709 = arith.select %gt3A_708, %add3A_647, %add3A_632 : vector<16xi1>, vector<16xf32>
      %select_n3A_710 = arith.select %gt3A_708, %broadcast_in_dim3A_29, %broadcast_in_dim3A_27 : vector<16xi1>, vector<16xi32>
      %select_n3A_711 = arith.select %gt3A_708, %add3A_632, %add3A_647 : vector<16xi1>, vector<16xf32>
      %select_n3A_712 = arith.select %gt3A_708, %broadcast_in_dim3A_27, %broadcast_in_dim3A_29 : vector<16xi1>, vector<16xi32>
      %gt3A_713 = arith.cmpf ogt, %add3A_677, %add3A_662 : vector<16xf32>
      %select_n3A_714 = arith.select %gt3A_713, %add3A_677, %add3A_662 : vector<16xi1>, vector<16xf32>
      %select_n3A_715 = arith.select %gt3A_713, %broadcast_in_dim3A_33, %broadcast_in_dim3A_31 : vector<16xi1>, vector<16xi32>
      %select_n3A_716 = arith.select %gt3A_713, %add3A_662, %add3A_677 : vector<16xi1>, vector<16xf32>
      %select_n3A_717 = arith.select %gt3A_713, %broadcast_in_dim3A_31, %broadcast_in_dim3A_33 : vector<16xi1>, vector<16xi32>
      %gt3A_718 = arith.cmpf ogt, %select_n3A_684, %select_n3A_679 : vector<16xf32>
      %gt3A_719 = arith.cmpf ogt, %select_n3A_684, %select_n3A_681 : vector<16xf32>
      %gt3A_720 = arith.cmpf ogt, %select_n3A_686, %select_n3A_679 : vector<16xf32>
      %select_n3A_721 = arith.select %gt3A_718, %select_n3A_684, %select_n3A_679 : vector<16xi1>, vector<16xf32>
      %select_n3A_722 = arith.select %gt3A_718, %select_n3A_685, %select_n3A_680 : vector<16xi1>, vector<16xi32>
      %select_n3A_723 = arith.select %gt3A_720, %select_n3A_686, %select_n3A_679 : vector<16xi1>, vector<16xf32>
      %select_n3A_724 = arith.select %gt3A_719, %select_n3A_684, %select_n3A_681 : vector<16xi1>, vector<16xf32>
      %select_n3A_725 = arith.select %gt3A_718, %select_n3A_723, %select_n3A_724 : vector<16xi1>, vector<16xf32>
      %select_n3A_726 = arith.select %gt3A_720, %select_n3A_687, %select_n3A_680 : vector<16xi1>, vector<16xi32>
      %select_n3A_727 = arith.select %gt3A_719, %select_n3A_685, %select_n3A_682 : vector<16xi1>, vector<16xi32>
      %select_n3A_728 = arith.select %gt3A_718, %select_n3A_726, %select_n3A_727 : vector<16xi1>, vector<16xi32>
      %gt3A_729 = arith.cmpf ogt, %select_n3A_694, %select_n3A_689 : vector<16xf32>
      %gt3A_730 = arith.cmpf ogt, %select_n3A_694, %select_n3A_691 : vector<16xf32>
      %gt3A_731 = arith.cmpf ogt, %select_n3A_696, %select_n3A_689 : vector<16xf32>
      %select_n3A_732 = arith.select %gt3A_729, %select_n3A_694, %select_n3A_689 : vector<16xi1>, vector<16xf32>
      %select_n3A_733 = arith.select %gt3A_729, %select_n3A_695, %select_n3A_690 : vector<16xi1>, vector<16xi32>
      %select_n3A_734 = arith.select %gt3A_731, %select_n3A_696, %select_n3A_689 : vector<16xi1>, vector<16xf32>
      %select_n3A_735 = arith.select %gt3A_730, %select_n3A_694, %select_n3A_691 : vector<16xi1>, vector<16xf32>
      %select_n3A_736 = arith.select %gt3A_729, %select_n3A_734, %select_n3A_735 : vector<16xi1>, vector<16xf32>
      %select_n3A_737 = arith.select %gt3A_731, %select_n3A_697, %select_n3A_690 : vector<16xi1>, vector<16xi32>
      %select_n3A_738 = arith.select %gt3A_730, %select_n3A_695, %select_n3A_692 : vector<16xi1>, vector<16xi32>
      %select_n3A_739 = arith.select %gt3A_729, %select_n3A_737, %select_n3A_738 : vector<16xi1>, vector<16xi32>
      %gt3A_740 = arith.cmpf ogt, %select_n3A_704, %select_n3A_699 : vector<16xf32>
      %gt3A_741 = arith.cmpf ogt, %select_n3A_704, %select_n3A_701 : vector<16xf32>
      %gt3A_742 = arith.cmpf ogt, %select_n3A_706, %select_n3A_699 : vector<16xf32>
      %select_n3A_743 = arith.select %gt3A_740, %select_n3A_704, %select_n3A_699 : vector<16xi1>, vector<16xf32>
      %select_n3A_744 = arith.select %gt3A_740, %select_n3A_705, %select_n3A_700 : vector<16xi1>, vector<16xi32>
      %select_n3A_745 = arith.select %gt3A_742, %select_n3A_706, %select_n3A_699 : vector<16xi1>, vector<16xf32>
      %select_n3A_746 = arith.select %gt3A_741, %select_n3A_704, %select_n3A_701 : vector<16xi1>, vector<16xf32>
      %select_n3A_747 = arith.select %gt3A_740, %select_n3A_745, %select_n3A_746 : vector<16xi1>, vector<16xf32>
      %select_n3A_748 = arith.select %gt3A_742, %select_n3A_707, %select_n3A_700 : vector<16xi1>, vector<16xi32>
      %select_n3A_749 = arith.select %gt3A_741, %select_n3A_705, %select_n3A_702 : vector<16xi1>, vector<16xi32>
      %select_n3A_750 = arith.select %gt3A_740, %select_n3A_748, %select_n3A_749 : vector<16xi1>, vector<16xi32>
      %gt3A_751 = arith.cmpf ogt, %select_n3A_714, %select_n3A_709 : vector<16xf32>
      %gt3A_752 = arith.cmpf ogt, %select_n3A_714, %select_n3A_711 : vector<16xf32>
      %gt3A_753 = arith.cmpf ogt, %select_n3A_716, %select_n3A_709 : vector<16xf32>
      %select_n3A_754 = arith.select %gt3A_751, %select_n3A_714, %select_n3A_709 : vector<16xi1>, vector<16xf32>
      %select_n3A_755 = arith.select %gt3A_751, %select_n3A_715, %select_n3A_710 : vector<16xi1>, vector<16xi32>
      %select_n3A_756 = arith.select %gt3A_753, %select_n3A_716, %select_n3A_709 : vector<16xi1>, vector<16xf32>
      %select_n3A_757 = arith.select %gt3A_752, %select_n3A_714, %select_n3A_711 : vector<16xi1>, vector<16xf32>
      %select_n3A_758 = arith.select %gt3A_751, %select_n3A_756, %select_n3A_757 : vector<16xi1>, vector<16xf32>
      %select_n3A_759 = arith.select %gt3A_753, %select_n3A_717, %select_n3A_710 : vector<16xi1>, vector<16xi32>
      %select_n3A_760 = arith.select %gt3A_752, %select_n3A_715, %select_n3A_712 : vector<16xi1>, vector<16xi32>
      %select_n3A_761 = arith.select %gt3A_751, %select_n3A_759, %select_n3A_760 : vector<16xi1>, vector<16xi32>
      %gt3A_762 = arith.cmpf ogt, %select_n3A_732, %select_n3A_721 : vector<16xf32>
      %gt3A_763 = arith.cmpf ogt, %select_n3A_732, %select_n3A_725 : vector<16xf32>
      %gt3A_764 = arith.cmpf ogt, %select_n3A_736, %select_n3A_721 : vector<16xf32>
      %select_n3A_765 = arith.select %gt3A_762, %select_n3A_732, %select_n3A_721 : vector<16xi1>, vector<16xf32>
      %select_n3A_766 = arith.select %gt3A_762, %select_n3A_733, %select_n3A_722 : vector<16xi1>, vector<16xi32>
      %select_n3A_767 = arith.select %gt3A_764, %select_n3A_736, %select_n3A_721 : vector<16xi1>, vector<16xf32>
      %select_n3A_768 = arith.select %gt3A_763, %select_n3A_732, %select_n3A_725 : vector<16xi1>, vector<16xf32>
      %select_n3A_769 = arith.select %gt3A_762, %select_n3A_767, %select_n3A_768 : vector<16xi1>, vector<16xf32>
      %select_n3A_770 = arith.select %gt3A_764, %select_n3A_739, %select_n3A_722 : vector<16xi1>, vector<16xi32>
      %select_n3A_771 = arith.select %gt3A_763, %select_n3A_733, %select_n3A_728 : vector<16xi1>, vector<16xi32>
      %select_n3A_772 = arith.select %gt3A_762, %select_n3A_770, %select_n3A_771 : vector<16xi1>, vector<16xi32>
      %gt3A_773 = arith.cmpf ogt, %select_n3A_754, %select_n3A_743 : vector<16xf32>
      %gt3A_774 = arith.cmpf ogt, %select_n3A_754, %select_n3A_747 : vector<16xf32>
      %gt3A_775 = arith.cmpf ogt, %select_n3A_758, %select_n3A_743 : vector<16xf32>
      %select_n3A_776 = arith.select %gt3A_773, %select_n3A_754, %select_n3A_743 : vector<16xi1>, vector<16xf32>
      %select_n3A_777 = arith.select %gt3A_773, %select_n3A_755, %select_n3A_744 : vector<16xi1>, vector<16xi32>
      %select_n3A_778 = arith.select %gt3A_775, %select_n3A_758, %select_n3A_743 : vector<16xi1>, vector<16xf32>
      %select_n3A_779 = arith.select %gt3A_774, %select_n3A_754, %select_n3A_747 : vector<16xi1>, vector<16xf32>
      %select_n3A_780 = arith.select %gt3A_773, %select_n3A_778, %select_n3A_779 : vector<16xi1>, vector<16xf32>
      %select_n3A_781 = arith.select %gt3A_775, %select_n3A_761, %select_n3A_744 : vector<16xi1>, vector<16xi32>
      %select_n3A_782 = arith.select %gt3A_774, %select_n3A_755, %select_n3A_750 : vector<16xi1>, vector<16xi32>
      %select_n3A_783 = arith.select %gt3A_773, %select_n3A_781, %select_n3A_782 : vector<16xi1>, vector<16xi32>
      %gt3A_784 = arith.cmpf ogt, %select_n3A_776, %select_n3A_765 : vector<16xf32>
      %gt3A_785 = arith.cmpf ogt, %select_n3A_776, %select_n3A_769 : vector<16xf32>
      %gt3A_786 = arith.cmpf ogt, %select_n3A_780, %select_n3A_765 : vector<16xf32>
      %select_n3A_787 = arith.select %gt3A_784, %select_n3A_776, %select_n3A_765 : vector<16xi1>, vector<16xf32>
      %select_n3A_788 = arith.select %gt3A_784, %select_n3A_777, %select_n3A_766 : vector<16xi1>, vector<16xi32>
      %select_n3A_789 = arith.select %gt3A_786, %select_n3A_780, %select_n3A_765 : vector<16xi1>, vector<16xf32>
      %select_n3A_790 = arith.select %gt3A_785, %select_n3A_776, %select_n3A_769 : vector<16xi1>, vector<16xf32>
      %select_n3A_791 = arith.select %gt3A_784, %select_n3A_789, %select_n3A_790 : vector<16xi1>, vector<16xf32>
      %select_n3A_792 = arith.select %gt3A_786, %select_n3A_783, %select_n3A_766 : vector<16xi1>, vector<16xi32>
      %select_n3A_793 = arith.select %gt3A_785, %select_n3A_777, %select_n3A_772 : vector<16xi1>, vector<16xi32>
      %select_n3A_794 = arith.select %gt3A_784, %select_n3A_792, %select_n3A_793 : vector<16xi1>, vector<16xi32>
      %gather3A_795 = tpu.vector_load_idx %arg7[%select_n3A_788] : memref<16xf32, #tpu.memory_space<vmem>>[vector<16xi32>], vector<16xf32>,
      %sub3A_796 = arith.subf %select_n3A_787, %gather3A_795 : vector<16xf32>
      %gather3A_797 = tpu.vector_load_idx %arg7[%select_n3A_794] : memref<16xf32, #tpu.memory_space<vmem>>[vector<16xi32>], vector<16xf32>,
      %sub3A_798 = arith.subf %select_n3A_791, %gather3A_797 : vector<16xf32>
      %add3A_799 = arith.addf %sub3A_796, %sub3A_798 : vector<16xf32>
      %max3A_800 = arith.constant 9.99999996E-13 : f32
      %max3A_801 = vector.broadcast %max3A_800 : f32 to vector<16xf32>
      %max3A_802 = arith.maximumf %add3A_799, %max3A_801 : vector<16xf32>
      %div3A_803 = arith.constant 1.000000e+00 : f32
      %div3A_804 = vector.broadcast %div3A_803 : f32 to vector<16xf32>
      %div3A_805 = arith.divf %div3A_804, %max3A_802 : vector<16xf32>
      %mul3A_806 = arith.mulf %sub3A_796, %div3A_805 : vector<16xf32>
      %swap3A_807 = arith.constant 0 : i32
      %swap3A_808 = arith.index_cast %swap3A_807 : i32 to index
      %swap3A_809 = arith.index_cast %mul3A_437 : i32 to index
      %swap3A_810 = tpu.vector_load %arg8[%swap3A_808, %swap3A_809] {strides = array<i32>} : memref<2x512xf32, #tpu.memory_space<vmem>>, vector<16xf32>,
      tpu.vector_store %arg8[%swap3A_808, %swap3A_809], %mul3A_806 {strides = array<i32>} : memref<2x512xf32, #tpu.memory_space<vmem>>, vector<16xf32>,
      %mul3A_811 = arith.mulf %sub3A_798, %div3A_805 : vector<16xf32>
      %swap3A_812 = arith.constant 1 : i32
      %swap3A_813 = arith.index_cast %swap3A_812 : i32 to index
      %swap3A_814 = arith.index_cast %mul3A_437 : i32 to index
      %swap3A_815 = tpu.vector_load %arg8[%swap3A_813, %swap3A_814] {strides = array<i32>} : memref<2x512xf32, #tpu.memory_space<vmem>>, vector<16xf32>,
      tpu.vector_store %arg8[%swap3A_813, %swap3A_814], %mul3A_811 {strides = array<i32>} : memref<2x512xf32, #tpu.memory_space<vmem>>, vector<16xf32>,
      %swap3A_816 = arith.constant 0 : i32
      %swap3A_817 = arith.index_cast %swap3A_816 : i32 to index
      %swap3A_818 = arith.index_cast %mul3A_437 : i32 to index
      %swap3A_819 = tpu.vector_load %arg9[%swap3A_817, %swap3A_818] {strides = array<i32>} : memref<2x512xi32, #tpu.memory_space<vmem>>, vector<16xi32>,
      tpu.vector_store %arg9[%swap3A_817, %swap3A_818], %select_n3A_788 {strides = array<i32>} : memref<2x512xi32, #tpu.memory_space<vmem>>, vector<16xi32>,
      %swap3A_820 = arith.constant 1 : i32
      %swap3A_821 = arith.index_cast %swap3A_820 : i32 to index
      %swap3A_822 = arith.index_cast %mul3A_437 : i32 to index
      %swap3A_823 = tpu.vector_load %arg9[%swap3A_821, %swap3A_822] {strides = array<i32>} : memref<2x512xi32, #tpu.memory_space<vmem>>, vector<16xi32>,
      tpu.vector_store %arg9[%swap3A_821, %swap3A_822], %select_n3A_794 {strides = array<i32>} : memref<2x512xi32, #tpu.memory_space<vmem>>, vector<16xi32>,
    }
    %scan3A_53 = arith.constant 32 : i32
    "tpu.region"() ({
      %run_scoped3A = tpu.sem_alloc : memref<!tpu.dma_semaphore, #tpu.memory_space<semaphore_mem>>
      %dma_start3A = arith.constant 0 : i32
      %dma_start3A_54 = tpu.memref_slice %arg4[%dma_start3A, %mul3A_2] : memref<2x16384xf32, #tpu.memory_space<hbm>> -> memref<2x512xf32, #tpu.memory_space<hbm>>
      %dma_start3A_55 = arith.constant 0 : i32
      %dma_start3A_56 = tpu.memref_slice %arg4[%dma_start3A_55, %mul3A_2] : memref<2x16384xf32, #tpu.memory_space<hbm>> -> memref<2x512xf32, #tpu.memory_space<hbm>>
      tpu.enqueue_dma source(%arg8 : memref<2x512xf32, #tpu.memory_space<vmem>>) target(%dma_start3A_56 : memref<2x512xf32, #tpu.memory_space<hbm>>) target_semaphore(%run_scoped3A : memref<!tpu.dma_semaphore, #tpu.memory_space<semaphore_mem>>)
      %dma_wait3A = arith.constant 0 : i32
      %dma_wait3A_57 = tpu.memref_slice %arg4[%dma_wait3A, %mul3A_2] : memref<2x16384xf32, #tpu.memory_space<hbm>> -> memref<2x512xf32, #tpu.memory_space<hbm>>
      %dma_wait3A_58 = arith.constant 0 : i32
      %dma_wait3A_59 = tpu.memref_slice %arg4[%dma_wait3A_58, %mul3A_2] : memref<2x16384xf32, #tpu.memory_space<hbm>> -> memref<2x512xf32, #tpu.memory_space<hbm>>
      tpu.wait_dma2 semaphore(%run_scoped3A : memref<!tpu.dma_semaphore, #tpu.memory_space<semaphore_mem>>) src(%arg8 : memref<2x512xf32, #tpu.memory_space<vmem>>) dst(%dma_wait3A_59 : memref<2x512xf32, #tpu.memory_space<hbm>>)
      tpu.yield
    }) : () -> ()
    "tpu.region"() ({
      %run_scoped3A = tpu.sem_alloc : memref<!tpu.dma_semaphore, #tpu.memory_space<semaphore_mem>>
      %dma_start3A = arith.constant 0 : i32
      %dma_start3A_54 = tpu.memref_slice %arg5[%dma_start3A, %mul3A_2] : memref<2x16384xi32, #tpu.memory_space<hbm>> -> memref<2x512xi32, #tpu.memory_space<hbm>>
      %dma_start3A_55 = arith.constant 0 : i32
      %dma_start3A_56 = tpu.memref_slice %arg5[%dma_start3A_55, %mul3A_2] : memref<2x16384xi32, #tpu.memory_space<hbm>> -> memref<2x512xi32, #tpu.memory_space<hbm>>
      tpu.enqueue_dma source(%arg9 : memref<2x512xi32, #tpu.memory_space<vmem>>) target(%dma_start3A_56 : memref<2x512xi32, #tpu.memory_space<hbm>>) target_semaphore(%run_scoped3A : memref<!tpu.dma_semaphore, #tpu.memory_space<semaphore_mem>>)
      %dma_wait3A = arith.constant 0 : i32
      %dma_wait3A_57 = tpu.memref_slice %arg5[%dma_wait3A, %mul3A_2] : memref<2x16384xi32, #tpu.memory_space<hbm>> -> memref<2x512xi32, #tpu.memory_space<hbm>>
      %dma_wait3A_58 = arith.constant 0 : i32
      %dma_wait3A_59 = tpu.memref_slice %arg5[%dma_wait3A_58, %mul3A_2] : memref<2x16384xi32, #tpu.memory_space<hbm>> -> memref<2x512xi32, #tpu.memory_space<hbm>>
      tpu.wait_dma2 semaphore(%run_scoped3A : memref<!tpu.dma_semaphore, #tpu.memory_space<semaphore_mem>>) src(%arg9 : memref<2x512xi32, #tpu.memory_space<vmem>>) dst(%dma_wait3A_59 : memref<2x512xi32, #tpu.memory_space<hbm>>)
      tpu.yield
    }) : () -> ()
    return
  }
}

module attributes {stable_mosaic.version = 14 : i64} {
  func.func @_matmul_body(%arg0: i32, %arg1: memref<1024x2048xf32, #tpu.memory_space<vmem>>, %arg2: memref<16x2048xf32, #tpu.memory_space<vmem>>, %arg3: memref<16x1024xf32, #tpu.memory_space<vmem>>) attributes {dimension_semantics = [#tpu.dimension_semantics<arbitrary>], iteration_bounds = array<i64: 16>, scalar_prefetch = 0 : i64, scratch_operands = 0 : i64, tpu.core_type = #tpu.core_type<tc>, window_params = [{transform_indices = @transform_0, window_bounds = array<i64: 1024, 2048>}, {pipeline_mode = #tpu.pipeline_mode<synchronous>, transform_indices = @transform_1, window_bounds = array<i64: 16, 2048>}, {transform_indices = @transform_2, window_bounds = array<i64: 16, 1024>}]} {
    %get3A = arith.constant 0 : index
    %get3A_0 = arith.constant 0 : index
    %get3A_1 = vector.load %arg2[%get3A, %get3A_0] : memref<16x2048xf32, #tpu.memory_space<vmem>>, vector<16x2048xf32>
    %get3A_2 = arith.constant 0 : index
    %get3A_3 = arith.constant 0 : index
    %get3A_4 = vector.load %arg1[%get3A_2, %get3A_3] : memref<1024x2048xf32, #tpu.memory_space<vmem>>, vector<1024x2048xf32>
    %dot_general3A = arith.constant dense<0.000000e+00> : vector<16x1024xf32>
    %dot_general3A_5 = tpu.matmul %get3A_1, %get3A_4, %dot_general3A {dimension_numbers = #tpu.dot_dimension_numbers<[1], [1], [0], [0], [0, 0, 1, 0], [], []>, transpose_lhs_hint = false} : vector<16x2048xf32>, vector<1024x2048xf32>, vector<16x1024xf32> -> vector<16x1024xf32>
    %swap3A = arith.constant 0 : index
    %swap3A_6 = arith.constant 0 : index
    %swap3A_7 = vector.load %arg3[%swap3A, %swap3A_6] : memref<16x1024xf32, #tpu.memory_space<vmem>>, vector<16x1024xf32>
    tpu.vector_store %arg3[%swap3A, %swap3A_6], %dot_general3A_5 {strides = array<i32>} : memref<16x1024xf32, #tpu.memory_space<vmem>>, vector<16x1024xf32>,
    return
  }
  func.func @transform_0(%arg0: i32) -> (i32, i32) {
    %c0_i32 = arith.constant 0 : i32
    %c0_i32_0 = arith.constant 0 : i32
    return %arg0, %c0_i32 : i32, i32
  }
  func.func @transform_1(%arg0: i32) -> (i32, i32) {
    %c0_i32 = arith.constant 0 : i32
    %c0_i32_0 = arith.constant 0 : i32
    %c0_i32_1 = arith.constant 0 : i32
    return %c0_i32, %c0_i32_0 : i32, i32
  }
  func.func @transform_2(%arg0: i32) -> (i32, i32) {
    %c0_i32 = arith.constant 0 : i32
    %c0_i32_0 = arith.constant 0 : i32
    return %c0_i32, %arg0 : i32, i32
  }
}

</mosaic_0001>

<sc_bundles>
// kernel: kernel.4.cloned.1.call-start
scs
__scs_entry_jumppad:
0x0: {  	(pc) =	sbr.rel $0x88, $3  }
0x1: {  	(tag) =	ssettag $0x0;
	lr =	simm.s32 $0x1  }
0x2: {  	[smem:$0x3F9E] =	sst lr;
	_ =	strace $0xD0000000  }
0x3: {  	_ = 	snop  }
0x4: {  	_ = 	snop  }
0x5: {  	_ = 	snop  }
0x6: {  	_ = 	snop  }
0x7: {  	_ = 	snop  }
__scs_overlays_trampoline_lowered:
0x8: {  	[smem:$0x3FAD] =	sst s0  }
0x9: {  	[smem:$0x3FAE] =	sst s1  }
0xa: {  	[smem:$0x3FAF] =	sst s2  }
0xb: {  	[smem:$0x3FB0] =	sst s3  }
0xc: {  	[smem:$0x3FB1] =	sst s4  }
0xd: {  	[smem:$0x3FB2] =	sst s5  }
0xe: {  	[smem:$0x3FB3] =	sst s6  }
0xf: {  	[smem:$0x3FB4] =	sst s7  }
0x10: {  	[smem:$0x3FB5] =	sst s8  }
0x11: {  	[smem:$0x3FB6] =	sst s9;
	s0 =	simm.s32 @!p0 $0x0  }
0x12: {  	s1 =	sld [smem:$0x3F9C];
	s0 =	simm.s32 @p0 $0x1  }
0x13: {  	[smem:$0x3FB7] =	sst s0;
	s0 =	simm.s32 @!p1 $0x0  }
0x14: {  	s2 =	sld [smem:$0x3F9B];
	s0 =	simm.s32 @p1 $0x1  }
0x15: {  	[smem:$0x3FB8] =	sst s0;
	s0 =	simm.s32 @!p2 $0x0  }
0x16: {  	s3 =	sld [smem:$0x3FDB];
	s0 =	simm.s32 @p2 $0x1  }
0x17: {  	s4 =	simm.s32 $0x1BF5;
	[smem:$0x3FBA] =	sst s0  }
0x18: {  	s0 =	sld [smem:$0x3F9D];
	_ =	swait.ge [sflag:s4], $0x0  }
0x19: {  	s7 =	sld [smem:$0x3F9E]  }
0x1a: {  	s8 =	sadd.s32 $0xFFFFE003, lr  }
0x1b: {  	s9 =	sadd.s32 $0xFFFFFEF7, lr;
	s5 =	simm.s32 $0xFFFFFFFF;
	p2 =	slt.u32 s8, $0xFFFFF086  }
0x1c: {  	p1 =	slt.u32 s9, $0xF7A;
	s5 =	simm.s32 @!p2 $0x0  }
0x1d: {  	s5 =	simm.s32 @p1 $0x1;
	p0 =	seq.s32 s7, s2  }
0x1e: {  	s7 =	smul.u32 @!p0 $0xF7A, s2;
	p2 =	seq.s32 @!p0 s5, $0x0  }
0x1f: {  	s9 =	smul.u32 $0xF7A, s1;
	s8 =	simm.s32 @!p0 $0x1BF5;
	p2 =	por !p2, p0  }
0x20: {  	[sflag:s8] =	ssyncset.s32 @!p0 $0xFFFFF086;
	s6 =	sadd.s32 @!p0 s3, s7;
	s7 =	simm.s32 @!p0 $0x108  }
0x21: {  	s3 =	sadd.s32 s3, s9;
	s6 =	sadd.s32 @!p0 $0x88, s6;
	s7 =	simm.s32 @p2 $0x1082  }
0x22: {  	[simem:s7], [sflag:s8] =	dma.local @!p0 [hbm:s6], $0xF7A  }
0x23: {  	s9 =	sor.u32 $0xD0000000, s2;
	s6 =	simm.s32 $0x108;
	_ =	swait.ge @!p0 [sflag:s8], $0x0  }
0x24: {  	s3 =	sadd.s32 $0x88, s3;
	s6 =	simm.s32 @!p1 $0x1082;
	[sflag:s4] =	ssyncset.s32 $0xFFFFF086  }
0x25: {  	[simem:s6], [sflag:s4] =	dma.local [hbm:s3], $0xF7A  }
0x26: {  	[smem:$0x3F9E] =	sst s1;
	(tag) =	ssettag s2;
	_ =	strace s9  }
0x27: {  	s1 =	sld [smem:$0x3FAE]  }
0x28: {  	s2 =	sld [smem:$0x3FAF]  }
0x29: {  	s4 =	sld [smem:$0x3FB1]  }
0x2a: {  	p0 =	seq.s32 s5, $0x0;
	s5 =	sld [smem:$0x3FB2]  }
0x2b: {  	s6 =	sld [smem:$0x3FB3]  }
0x2c: {  	s7 =	sld [smem:$0x3FB4]  }
0x2d: {  	s3 =	simm.s32 $0x108;
	s8 =	sld [smem:$0x3FB5]  }
0x2e: {  	s3 =	simm.s32 @!p0 $0x1082;
	s9 =	sld [smem:$0x3FB6]  }
0x2f: {  	lr =	sadd.s32 s0, s3;
	s0 =	sld [smem:$0x3FAD]  }
0x30: {  	s3 =	sld [smem:$0x3FB0]  }
0x31: {  	[smem:$0x3FB9] =	sst s10  }
0x32: {  	s10 =	sld [smem:$0x3FB7];
	_ =	sdelay $0x3  }
0x33: {  	p0 =	seq.s32 s10, $0x1;
	s10 =	sld [smem:$0x3FB9];
	_ =	sdelay $0x3  }
0x34: {  	[smem:$0x3FB9] =	sst s10  }
0x35: {  	s10 =	sld [smem:$0x3FB8];
	_ =	sdelay $0x3  }
0x36: {  	p1 =	seq.s32 s10, $0x1;
	s10 =	sld [smem:$0x3FB9];
	_ =	sdelay $0x3  }
0x37: {  	[smem:$0x3FB9] =	sst s10  }
0x38: {  	s10 =	sld [smem:$0x3FBA]  }
0x39: {  	_ = 	snop;
	(pc) =	sbr.ind lr, $3  }
0x3a: {  	_ = 	snop  }
0x3b: {  	_ = 	snop  }
0x3c: {  	p2 =	seq.s32 s10, $0x1;
	s10 =	sld [smem:$0x3FB9]  }
0x3d: {  	_ =	shalt  }
0x3e: {  	_ =	shalt  }
0x3f: {  	_ =	shalt  }
0x40: {  	_ =	shalt  }
0x41: {  	_ =	shalt  }
0x42: {  	_ =	shalt  }
0x43: {  	_ =	shalt  }
0x44: {  	_ =	shalt  }
0x45: {  	_ =	shalt  }
0x46: {  	_ =	shalt  }
0x47: {  	_ =	shalt  }
0x48: {  	_ =	shalt  }
0x49: {  	_ =	shalt  }
0x4a: {  	_ =	shalt  }
0x4b: {  	_ =	shalt  }
0x4c: {  	_ =	shalt  }
0x4d: {  	_ =	shalt  }
0x4e: {  	_ =	shalt  }
0x4f: {  	_ =	shalt  }
0x50: {  	_ =	shalt  }
0x51: {  	_ =	shalt  }
0x52: {  	_ =	shalt  }
0x53: {  	_ =	shalt  }
0x54: {  	_ =	shalt  }
0x55: {  	_ =	shalt  }
0x56: {  	_ =	shalt  }
0x57: {  	_ =	shalt  }
0x58: {  	_ =	shalt  }
0x59: {  	_ =	shalt  }
0x5a: {  	_ =	shalt  }
0x5b: {  	_ =	shalt  }
0x5c: {  	_ =	shalt  }
0x5d: {  	_ =	shalt  }
0x5e: {  	_ =	shalt  }
0x5f: {  	_ =	shalt  }
0x60: {  	_ =	shalt  }
0x61: {  	_ =	shalt  }
0x62: {  	_ =	shalt  }
0x63: {  	_ =	shalt  }
0x64: {  	_ =	shalt  }
0x65: {  	_ =	shalt  }
0x66: {  	_ =	shalt  }
0x67: {  	_ =	shalt  }
0x68: {  	_ =	shalt  }
0x69: {  	_ =	shalt  }
0x6a: {  	_ =	shalt  }
0x6b: {  	_ =	shalt  }
0x6c: {  	_ =	shalt  }
0x6d: {  	_ =	shalt  }
0x6e: {  	_ =	shalt  }
0x6f: {  	_ =	shalt  }
0x70: {  	_ =	shalt  }
0x71: {  	_ =	shalt  }
0x72: {  	_ =	shalt  }
0x73: {  	_ =	shalt  }
0x74: {  	_ =	shalt  }
0x75: {  	_ =	shalt  }
0x76: {  	_ =	shalt  }
0x77: {  	_ =	shalt  }
0x78: {  	_ =	shalt  }
0x79: {  	_ =	shalt  }
0x7a: {  	_ =	shalt  }
0x7b: {  	_ =	shalt  }
0x7c: {  	_ =	shalt  }
0x7d: {  	_ =	shalt  }
0x7e: {  	_ =	shalt  }
0x7f: {  	_ =	shalt  }
0x80: {  	_ =	shalt  }
0x81: {  	_ =	shalt  }
0x82: {  	_ =	shalt  }
0x83: {  	_ =	shalt  }
0x84: {  	_ =	shalt  }
0x85: {  	_ =	shalt  }
0x86: {  	_ =	shalt  }
0x87: {  	_ =	shalt  }
.Lfunc_end0:
.L_simem_size_0:
called_computation_lowered:
.L_overlay_start_0:
0x88: {  	s2 =	sld [smem:$0x3FD9]  }
0x89: {  	s3 =	sld [smem:$0x3FFE];
	_ =	sdelay $0x1  }
0x8a: {  	s1 =	srdreg.scid  }
0x8b: {  	s0 =	sand.u32 $0x1, s1  }
0x8c: {  	s14 =	sshll.u32 s0, $0xA;
	s2 =	sadd.s32 s3, s2  }
0x8d: {  	s2 =	sadd.s32 s2, s14  }
0x8e: {  	[smem:$0x3FC5] =	sst s2  }
0x8f: {  	_ = 	snop  }
0x90: {  	s2 =	sld [smem:$0x3FD0];
	_ =	sdelay $0x2  }
0x91: {  	s4 =	simm.s32 $0xA;
	s5 =	simm.s32 $0x10;
	s15 =	sld [smem:$0x3FC7]  }
0x92: {  	[smem:s5], [sflag:s4] =	dma.local [hbm:s2], $0x1  }
0x93: {  	_ =	swait.eq [sflag:s4], $0x1  }
0x94: {  	[sflag:s4] =	ssyncset.done $0x0  }
0x95: {  	s16 =	sld [smem:$0x10];
	[sflag:s4] =	ssyncadd.s32 $0xFFFFFFFF  }
0x96: {  	s17 =	sld [smem:$0x11];
	(tm) =	ssettm $0x1  }
0x97: {  	s18 =	sld [smem:$0x3FFB];
	_ =	sdelay $0x3  }
0x98: {  	_ =	strace s18  }
0x99: {  	s5 =	sld [smem:$0x3FFC];
	_ =	sdelay $0x3  }
0x9a: {  	_ =	strace s5  }
0x9b: {  	s5 =	sld [smem:$0x3FFD];
	_ =	sdelay $0x3  }
0x9c: {  	_ =	strace s5  }
0x9d: {  	_ =	strace $0x8FFFFFFF  }
0x9e: {  	s19 =	sld [smem:$0x3FDB];
	_ =	sdelay $0x1  }
0x9f: {  	s6 =	simm.s32 $_scs_section_size  }
0xa0: {  	s7 =	simm.s32 $_size__tile_overlayer_lowered;
	s8 =	simm.s32 $_tile_overlayer_lowered  }
0xa1: {  	s22 =	simm.s32 $0x1BFF;
	s21 =	sshll.u32 s8, $0x1;
	s5 =	sadd.s32 s6, s19  }
0xa2: {  	s9 =	simm.s32 $0x0;
	s20 =	sshll.u32 s7, $0x1;
	s7 =	sadd.s32 s21, s5  }
0xa3: {  	[timem:s9], [sflag:s22] =	dma.local [hbm:s7], s20  }
0xa4: {  	_ =	swait.ge [sflag:s22], s20  }
0xa5: {  	s6 =	ssub.s32 $0x0, s20;
	[sflag:s22] =	ssyncset.done $0x0  }
0xa6: {  	[sflag:s22] =	ssyncadd.s32 s6;
	_ =	sdelay $0x1  }
0xa7: {  	s23 =	simm.s32 $0x1B8B  }
0xa8: {  	_ =	swait.ge [sflag:s23], $0x1  }
0xa9: {  	[sflag:s23] =	ssyncset.done $0x0  }
0xaa: {  	s25 =	simm.s32 $0x1B8E;
	s24 =	sld [smem:$0x3FFE];
	[sflag:s23] =	ssyncadd.s32 $0xFFFFFFFF  }
0xab: {  	s26 =	simm.s32 $execute0_lowered;
	[smem:$0x3FD2] =	sst s25  }
0xac: {  	s7 =	sshll.u32 s26, $0x1;
	_ =	strace $0x80000046;
	[dreg:$0x1] =	wrdreg $0xFFFFFFFF  }
0xad: {  	s28 =	simm.s32 $_size_execute0_lowered;
	s5 =	sadd.s32 s5, s7;
	[dreg:$0x0] =	wrdreg $0x0  }
0xae: {  	s7 =	sshll.u32 s28, $0x1;
	[dreg:$0x2] =	wrdreg s5  }
0xaf: {  	[dreg:$0x3] =	wrdreg s7  }
0xb0: {  	[dreg:$0x4] =	wrdreg $0xC0  }
0xb1: {  	_ =	task [dreg:s9], $0x5FFFF  }
0xb2: {  	[dreg:$0x1] =	wrdreg $0xFFFFFFFF  }
0xb3: {  	[dreg:$0x0] =	wrdreg $0x60  }
0xb4: {  	[dreg:$0x2] =	wrdreg s24  }
0xb5: {  	[dreg:$0x3] =	wrdreg s15  }
0xb6: {  	[dreg:$0x4] =	wrdreg s16  }
0xb7: {  	[dreg:$0x5] =	wrdreg s17  }
0xb8: {  	[dreg:$0x6] =	wrdreg $0x9  }
0xb9: {  	_ =	task.clear_ibuf [dreg:s9], $0x7FFFF;
	_ =	strace $0x90000046  }
0xba: {  	s29 =	simm.s32 $0x9;
	_ =	strace $0x80000048  }
0xbb: {  	_ =	swait.ge [sflag:s29], $0x1  }
0xbc: {  	[sflag:s29] =	ssyncadd.s32 $0xFFFFFFFF  }
0xbd: {  	_ =	strace $0x90000048  }
0xbe: {  	_ =	sfence  }
0xbf: {  	s30 =	sld [smem:$0x0];
	_ =	sdelay $0x2  }
0xc0: {  	s31 =	sshll.u32 s1, $0xD;
	s1 =	sshrl.u32 s1, $0x2  }
0xc1: {  	s3 =	sand.u32 $0x4000, s31;
	s1 =	sadd.s32 s1, s30  }
0xc2: {  	s0 =	sor.u32 s3, s0;
	s1 =	sshll.u32 s1, $0x11  }
0xc3: {  	s0 =	sor.u32 s1, s0  }
0xc4: {  	s0 =	sadd.s32 $0x8F2B, s0  }
0xc5: {  	[sflag:s0] =	ssyncadd.remote.s32 $0x1  }
0xc6: {  	_ =	sfence.sel $0xFFFF  }
0xc7: {  	[dreg:$0x0] =	wrdreg $0xFFFFFFFF;
	(pc) =	sbr.abs _section_cstart, $3  }
0xc8: {  	[dreg:$0x1] =	wrdreg $0xFFFFFFFF  }
0xc9: {  	_ =	task.clear_ibuf [dreg:s9], $0x2FFFF;
	_ =	strace $0x9FFFFFFF  }
0xca: {  	(tm) =	ssettm $0x7FFFFFFF  }
0xcb: {  	_ =	shalt  }
tec
execute0_lowered:
.L_overlay_start_1:
0x0: {  	(tag) =	ssettag $0x1  }
0x1: {  	s4 =	rddreg [dreg:$0x0]  }
0x2: {  	s1 =	rddreg [dreg:$0x1]  }
0x3: {  	s5 =	rddreg [dreg:$0x2]  }
0x4: {  	s6 =	rddreg [dreg:$0x3]  }
0x5: {  	s0 =	rddreg [dreg:$0x4];
	s7 =	srdreg.scid  }
0x6: {  	s3 =	simm.s32 $0x0;
	s2 =	stileid.u32;
	s10 =	simm.s32 $0x1  }
0x7: {  	s11 =	simm.s32 $0x2000;
	s12 =	simm.s32 $0x2080;
	s13 =	simm.s32 $0x2480  }
0x8: {  	v0 =	vimm.s32 $0x1;
	s14 =	simm.s32 $0x0;
	s7 =	sand.u32 $0x1, s7;
	[smem:$0x7FF] =	sst s3  }
0x9: {  	v1 =	vimm.s32 $0x2;
	v2 =	vimm.s32 $0x3;
	v3 =	vimm.s32 $0x4;
	s8 =	sshll.u32 s2, $0xA;
	s9 =	sshll.u32 s7, $0x9;
	s7 =	ssub.s32 $0x2, s7  }
0xa: {  	v4 =	vimm.s32 $0x5;
	v5 =	vimm.s32 $0x6;
	v6 =	vimm.s32 $0x7;
	_ =	strace $0x80000047;
	s8 =	sor.u32 s9, s8;
	s31 =	sshrl.u32 s7, $0x1  }
0xb: {  	v7 =	vimm.s32 $0x8;
	v8 =	vimm.s32 $0x9;
	v9 =	vimm.s32 $0xA;
	s9 =	simm.s32 $0x20000;
	s4 =	sadd.s32 s8, s4;
	s8 =	sshrl.u32 s8, $0x2  }
0xc: {  	v10 =	vimm.s32 $0xB;
	v11 =	vimm.s32 $0xC;
	v12 =	vimm.s32 $0xD;
	s7 =	ssub.s32 s7, s31;
	s4 =	sadd.s32 $0xC00, s4;
	s5 =	sadd.s32 s5, s8  }
0xd: {  	v13 =	vimm.s32 $0xE;
	v14 =	vimm.s32 $0xF;
	v15 =	vimm.s32 $0x0;
	s6 =	sadd.s32 s6, s8;
	s7 =	smax.u32 s7, $0x1;
	s8 =	simm.s32 $0x1000  }
.LBB2_1:
0xe: {  	[tilespmem:s3], [sflag:$0x1] =	stream.strided.gather [hbm4b:s4+s8], $0x2000, s9, s8, $0x38;
	[tilespmem:$0x2880] =	vst v63  }
0xf: {  	_ =	swait.ge [sflag:s10], $0x2000  }
0x10: {  	[sflag:s10] =	ssyncset.done $0x0  }
0x11: {  	[sflag:s10] =	ssyncadd.s32 $0xFFFFE000  }
0x12: {  	[tilespmem:s11], [sflag:$0x1] =	stream.linear.gather [hbm4b:s1+s3], $0x80, $0x38;
	[tilespmem:$0x2880] =	vst v63  }
0x13: {  	_ =	swait.ge [sflag:s10], $0x80  }
0x14: {  	[sflag:s10] =	ssyncset.done $0x0  }
0x15: {  	[sflag:s10] =	ssyncadd.s32 $0xFFFFFF80  }
0x16: {  	v16 =	vld.msk [tilespmem:s11+$0x0], $0xffff  }
0x17: {  	v17 =	vld.idx.msk [tilespmem:v0+s11+$0x0], $0xffff  }
0x18: {  	v18 =	vld.idx.msk [tilespmem:v1+s11+$0x0], $0xffff  }
0x19: {  	v19 =	vld.idx.msk [tilespmem:v2+s11+$0x0], $0xffff  }
0x1a: {  	v20 =	vld.idx.msk [tilespmem:v3+s11+$0x0], $0xffff  }
0x1b: {  	v21 =	vld.idx.msk [tilespmem:v4+s11+$0x0], $0xffff  }
0x1c: {  	v22 =	vld.idx.msk [tilespmem:v5+s11+$0x0], $0xffff  }
0x1d: {  	v23 =	vld.idx.msk [tilespmem:v6+s11+$0x0], $0xffff  }
0x1e: {  	v24 =	vld.idx.msk [tilespmem:v7+s11+$0x0], $0xffff  }
0x1f: {  	v25 =	vld.idx.msk [tilespmem:v8+s11+$0x0], $0xffff  }
0x20: {  	v26 =	vld.idx.msk [tilespmem:v9+s11+$0x0], $0xffff  }
0x21: {  	v27 =	vld.idx.msk [tilespmem:v10+s11+$0x0], $0xffff  }
0x22: {  	v28 =	vld.idx.msk [tilespmem:v11+s11+$0x0], $0xffff  }
0x23: {  	v29 =	vld.idx.msk [tilespmem:v12+s11+$0x0], $0xffff  }
0x24: {  	v30 =	vld.idx.msk [tilespmem:v13+s11+$0x0], $0xffff  }
0x25: {  	s15 =	simm.s32 $0xFFFFFFFE;
	s16 =	simm.s32 $0x0;
	v31 =	vld.idx.msk [tilespmem:v14+s11+$0x0], $0xffff  }
.LBB2_2:
0x26: {  	s15 =	sadd.s32 $0x2, s15  }
0x27: {  	s17 =	sshll.u32 s15, $0x7  }
0x28: {  	s18 =	sand.u32 $0x60, s16;
	s17 =	sand.u32 $0x3FFFFC00, s17  }
0x29: {  	s19 =	sor.u32 s18, s17  }
0x2a: {  	v32 =	vld [tilespmem:s19+$0x0];
	_ =	sdelay $0x4  }
0x2b: {  	v32 =	vsub.f32 $0.0e+00, v32;
	_ =	sdelay $0x1  }
0x2c: {  	v32 =	vmul.f32 $1.442695020e+00, v32;
	_ =	sdelay $0x1  }
0x2d: {  	(erf) = vpow2.f32 v32;
	_ =	sdelay $0x3  }
0x2e: {  	v61 =	vld [tilespmem:s19+$0x80];
	_ =	sdelay $0x4  }
0x2f: {  	v32 =	vsub.f32 $0.0e+00, v61;
	v33 =	vpop (erf)  }
0x30: {  	v33 =	vadd.f32 $1.000000000e+00, v33  }
0x31: {  	v32 =	vmul.f32 $1.442695020e+00, v32  }
0x32: {  	(erf) = vrcp.f32 v33  }
0x33: {  	(erf) = vpow2.f32 v32;
	_ =	sdelay $0x3  }
0x34: {  	v62 =	vld [tilespmem:s19+$0x100];
	_ =	sdelay $0x3  }
0x35: {  	v63 =	vpop (erf)  }
0x36: {  	v33 =	vsub.f32 $0.0e+00, v62;
	v34 =	vpop (erf)  }
0x37: {  	v34 =	vadd.f32 $1.000000000e+00, v34  }
0x38: {  	v33 =	vmul.f32 $1.442695020e+00, v33  }
0x39: {  	(erf) = vrcp.f32 v34  }
0x3a: {  	(erf) = vpow2.f32 v33;
	_ =	sdelay $0x3  }
0x3b: {  	v43 =	vld [tilespmem:s19+$0x180];
	_ =	sdelay $0x3  }
0x3c: {  	v34 =	vpop (erf)  }
0x3d: {  	v33 =	vsub.f32 $0.0e+00, v43;
	v35 =	vpop (erf)  }
0x3e: {  	v35 =	vadd.f32 $1.000000000e+00, v35  }
0x3f: {  	v33 =	vmul.f32 $1.442695020e+00, v33  }
0x40: {  	(erf) = vrcp.f32 v35  }
0x41: {  	(erf) = vpow2.f32 v33;
	_ =	sdelay $0x3  }
0x42: {  	v44 =	vld [tilespmem:s19+$0x200];
	_ =	sdelay $0x3  }
0x43: {  	v35 =	vpop (erf)  }
0x44: {  	v33 =	vsub.f32 $0.0e+00, v44;
	v36 =	vpop (erf)  }
0x45: {  	v36 =	vadd.f32 $1.000000000e+00, v36  }
0x46: {  	v33 =	vmul.f32 $1.442695020e+00, v33  }
0x47: {  	(erf) = vrcp.f32 v36  }
0x48: {  	(erf) = vpow2.f32 v33;
	_ =	sdelay $0x3  }
0x49: {  	v45 =	vld [tilespmem:s19+$0x280];
	_ =	sdelay $0x3  }
0x4a: {  	v36 =	vpop (erf)  }
0x4b: {  	v33 =	vsub.f32 $0.0e+00, v45;
	v37 =	vpop (erf)  }
0x4c: {  	v37 =	vadd.f32 $1.000000000e+00, v37  }
0x4d: {  	v33 =	vmul.f32 $1.442695020e+00, v33  }
0x4e: {  	(erf) = vrcp.f32 v37  }
0x4f: {  	(erf) = vpow2.f32 v33;
	_ =	sdelay $0x3  }
0x50: {  	v46 =	vld [tilespmem:s19+$0x300];
	_ =	sdelay $0x3  }
0x51: {  	v37 =	vpop (erf)  }
0x52: {  	v33 =	vsub.f32 $0.0e+00, v46;
	v38 =	vpop (erf)  }
0x53: {  	v38 =	vadd.f32 $1.000000000e+00, v38  }
0x54: {  	v33 =	vmul.f32 $1.442695020e+00, v33  }
0x55: {  	(erf) = vrcp.f32 v38  }
0x56: {  	(erf) = vpow2.f32 v33;
	_ =	sdelay $0x3  }
0x57: {  	v47 =	vld [tilespmem:s19+$0x380];
	_ =	sdelay $0x3  }
0x58: {  	v38 =	vpop (erf)  }
0x59: {  	v33 =	vsub.f32 $0.0e+00, v47;
	v39 =	vpop (erf)  }
0x5a: {  	v39 =	vadd.f32 $1.000000000e+00, v39  }
0x5b: {  	v33 =	vmul.f32 $1.442695020e+00, v33  }
0x5c: {  	(erf) = vrcp.f32 v39  }
0x5d: {  	(erf) = vpow2.f32 v33;
	_ =	sdelay $0x1  }
0x5e: {  	s19 =	sadd.s32 $0x1000, s17  }
0x5f: {  	s20 =	sor.u32 s18, s19  }
0x60: {  	v48 =	vld [tilespmem:s20+$0x0];
	_ =	sdelay $0x3  }
0x61: {  	v39 =	vpop (erf)  }
0x62: {  	v33 =	vsub.f32 $0.0e+00, v48;
	v40 =	vpop (erf)  }
0x63: {  	v40 =	vadd.f32 $1.000000000e+00, v40  }
0x64: {  	v33 =	vmul.f32 $1.442695020e+00, v33  }
0x65: {  	(erf) = vrcp.f32 v40  }
0x66: {  	(erf) = vpow2.f32 v33;
	_ =	sdelay $0x1  }
0x67: {  	s20 =	sadd.s32 $0x1080, s17  }
0x68: {  	s21 =	sor.u32 s18, s20  }
0x69: {  	v49 =	vld [tilespmem:s21+$0x0];
	_ =	sdelay $0x3  }
0x6a: {  	v40 =	vpop (erf)  }
0x6b: {  	v33 =	vsub.f32 $0.0e+00, v49;
	v41 =	vpop (erf)  }
0x6c: {  	v41 =	vadd.f32 $1.000000000e+00, v41  }
0x6d: {  	v33 =	vmul.f32 $1.442695020e+00, v33  }
0x6e: {  	(erf) = vrcp.f32 v41  }
0x6f: {  	(erf) = vpow2.f32 v33;
	_ =	sdelay $0x1  }
0x70: {  	s21 =	sadd.s32 $0x1100, s17  }
0x71: {  	s22 =	sor.u32 s18, s21  }
0x72: {  	v50 =	vld [tilespmem:s22+$0x0];
	_ =	sdelay $0x3  }
0x73: {  	v41 =	vpop (erf)  }
0x74: {  	v33 =	vsub.f32 $0.0e+00, v50;
	v42 =	vpop (erf)  }
0x75: {  	v42 =	vadd.f32 $1.000000000e+00, v42  }
0x76: {  	v33 =	vmul.f32 $1.442695020e+00, v33  }
0x77: {  	(erf) = vrcp.f32 v42  }
0x78: {  	(erf) = vpow2.f32 v33;
	_ =	sdelay $0x1  }
0x79: {  	s22 =	sadd.s32 $0x1180, s17  }
0x7a: {  	s23 =	sor.u32 s18, s22  }
0x7b: {  	v51 =	vld [tilespmem:s23+$0x0];
	_ =	sdelay $0x3  }
0x7c: {  	v42 =	vpop (erf)  }
0x7d: {  	v33 =	vsub.f32 $0.0e+00, v51;
	v43 =	vpop (erf)  }
0x7e: {  	v43 =	vadd.f32 $1.000000000e+00, v43  }
0x7f: {  	v33 =	vmul.f32 $1.442695020e+00, v33  }
0x80: {  	(erf) = vrcp.f32 v43  }
0x81: {  	(erf) = vpow2.f32 v33;
	_ =	sdelay $0x1  }
0x82: {  	s23 =	sadd.s32 $0x1200, s17  }
0x83: {  	s24 =	sor.u32 s18, s23  }
0x84: {  	v52 =	vld [tilespmem:s24+$0x0];
	_ =	sdelay $0x3  }
0x85: {  	v43 =	vpop (erf)  }
0x86: {  	v33 =	vsub.f32 $0.0e+00, v52;
	v44 =	vpop (erf)  }
0x87: {  	v44 =	vadd.f32 $1.000000000e+00, v44  }
0x88: {  	v33 =	vmul.f32 $1.442695020e+00, v33  }
0x89: {  	(erf) = vrcp.f32 v44  }
0x8a: {  	(erf) = vpow2.f32 v33;
	_ =	sdelay $0x1  }
0x8b: {  	s24 =	sadd.s32 $0x1280, s17  }
0x8c: {  	s25 =	sor.u32 s18, s24  }
0x8d: {  	v53 =	vld [tilespmem:s25+$0x0];
	_ =	sdelay $0x3  }
0x8e: {  	v44 =	vpop (erf)  }
0x8f: {  	v33 =	vsub.f32 $0.0e+00, v53;
	v45 =	vpop (erf)  }
0x90: {  	v45 =	vadd.f32 $1.000000000e+00, v45  }
0x91: {  	v33 =	vmul.f32 $1.442695020e+00, v33  }
0x92: {  	(erf) = vrcp.f32 v45  }
0x93: {  	(erf) = vpow2.f32 v33;
	_ =	sdelay $0x1  }
0x94: {  	s25 =	sadd.s32 $0x1300, s17  }
0x95: {  	s26 =	sor.u32 s18, s25  }
0x96: {  	v54 =	vld [tilespmem:s26+$0x0];
	_ =	sdelay $0x3  }
0x97: {  	v45 =	vpop (erf)  }
0x98: {  	v33 =	vsub.f32 $0.0e+00, v54;
	v46 =	vpop (erf)  }
0x99: {  	v46 =	vadd.f32 $1.000000000e+00, v46  }
0x9a: {  	v33 =	vmul.f32 $1.442695020e+00, v33  }
0x9b: {  	(erf) = vrcp.f32 v46  }
0x9c: {  	(erf) = vpow2.f32 v33;
	_ =	sdelay $0x1  }
0x9d: {  	s30 =	sadd.s32 $0x1380, s17  }
0x9e: {  	s28 =	sor.u32 s18, s30  }
0x9f: {  	v55 =	vld [tilespmem:s28+$0x0];
	v32 =	vadd.f32 v63, v16;
	v34 =	vadd.f32 v34, v17;
	_ =	sdelay $0x1  }
0xa0: {  	vm0 =	vgt.f32 v34, v32;
	v35 =	vadd.f32 v35, v18;
	v36 =	vadd.f32 v36, v19  }
0xa1: {  	vm1 =	vmneg vm0;
	v37 =	vadd.f32 v37, v20;
	v38 =	vadd.f32 v38, v21  }
0xa2: {  	v58 =	vsel vm1, $0x1, v15;
	vm5 =	vgt.f32 v36, v35;
	v46 =	vpop (erf)  }
0xa3: {  	v63 =	vsel vm5, $0x3, v1;
	vm6 =	vgt.f32 v38, v37;
	v33 =	vsub.f32 $0.0e+00, v55;
	v47 =	vpop (erf)  }
0xa4: {  	v59 =	vsel vm6, v38, v37;
	v37 =	vsel vm6, v37, v38;
	v47 =	vadd.f32 $1.000000000e+00, v47  }
0xa5: {  	v39 =	vadd.f32 v39, v22;
	v40 =	vadd.f32 v40, v23;
	v33 =	vmul.f32 $1.442695020e+00, v33  }
0xa6: {  	v48 =	vsel vm0, v34, v32;
	v32 =	vsel vm0, v32, v34;
	(erf) = vrcp.f32 v47  }
0xa7: {  	v49 =	vsel vm0, $0x1, v15;
	vm4 =	vgt.f32 v40, v39;
	(erf) = vpow2.f32 v33  }
0xa8: {  	v60 =	vsel vm4, v40, v39;
	v39 =	vsel vm4, v39, v40;
	v50 =	vsel vm5, v36, v35  }
0xa9: {  	v35 =	vsel vm5, v35, v36;
	vm14 =	vgt.f32 v39, v59;
	vm15 =	vgt.f32 v60, v59  }
0xaa: {  	vm7 =	vgt.f32 v35, v48;
	vm8 =	vgt.f32 v50, v48;
	vm9 =	vgt.f32 v50, v32  }
0xab: {  	v39 =	vsel vm14, v39, v59;
	v36 =	vsel vm15, v60, v59;
	v35 =	vsel vm7, v35, v48  }
0xac: {  	v48 =	vsel vm8, v50, v48;
	v41 =	vadd.f32 v41, v24;
	v42 =	vadd.f32 v42, v25  }
0xad: {  	v32 =	vsel vm9, v50, v32;
	v34 =	vsel vm9, v63, v58;
	vm9 =	vgt.f32 v60, v37  }
0xae: {  	v32 =	vsel vm8, v35, v32;
	v37 =	vsel vm9, v60, v37;
	vm3 =	vgt.f32 v42, v41  }
0xaf: {  	v37 =	vsel vm15, v39, v37;
	v61 =	vsel vm3, v42, v41;
	v41 =	vsel vm3, v41, v42;
	v56 =	vpop (erf)  }
0xb0: {  	v58 =	vsel vm3, $0x8, v8;
	v52 =	vsel vm5, $0x2, v2;
	v43 =	vadd.f32 v43, v26;
	v57 =	vpop (erf)  }
0xb1: {  	vm5 =	vgt.f32 v36, v32;
	v44 =	vadd.f32 v44, v27;
	v47 =	vadd.f32 $1.000000000e+00, v57  }
0xb2: {  	v50 =	vsel vm7, v52, v49;
	v49 =	vsel vm8, v63, v49;
	v32 =	vsel vm5, v36, v32  }
0xb3: {  	v34 =	vsel vm8, v50, v34;
	vm2 =	vgt.f32 v44, v43;
	(erf) = vrcp.f32 v47  }
0xb4: {  	v53 =	vsel vm6, $0x5, v3;
	v62 =	vsel vm2, v44, v43;
	v43 =	vsel vm2, v43, v44  }
0xb5: {  	v59 =	vsel vm2, $0xB, v9;
	v60 =	vsel vm2, $0xA, v10;
	v54 =	vsel vm6, $0x4, v4  }
0xb6: {  	vm10 =	vgt.f32 v43, v61;
	vm11 =	vgt.f32 v62, v61;
	vm12 =	vgt.f32 v62, v41  }
0xb7: {  	vm6 =	vgt.f32 v37, v48;
	v43 =	vsel vm10, v43, v61;
	v40 =	vsel vm11, v62, v61  }
0xb8: {  	v45 =	vadd.f32 v45, v28;
	v55 =	vsel vm4, $0x7, v5;
	v46 =	vadd.f32 v46, v29  }
0xb9: {  	v41 =	vsel vm12, v62, v41;
	v37 =	vsel vm6, v37, v48;
	v35 =	vsel vm15, v55, v53  }
0xba: {  	v41 =	vsel vm11, v43, v41;
	v34 =	vsel vm5, v35, v34;
	vm13 =	vgt.f32 v46, v45  }
0xbb: {  	v44 =	vsel vm13, v46, v45;
	v45 =	vsel vm13, v45, v46;
	v61 =	vsel vm13, $0xD, v11  }
0xbc: {  	v62 =	vsel vm13, $0xC, v12;
	v33 =	vadd.f32 v56, v30;
	v56 =	vsel vm4, $0x6, v6;
	v47 =	vpop (erf)  }
0xbd: {  	vm4 =	vgt.f32 v36, v48;
	v57 =	vsel vm3, $0x9, v7;
	v47 =	vadd.f32 v47, v31  }
0xbe: {  	v38 =	vsel vm14, v56, v53;
	v53 =	vsel vm4, v36, v48;
	v32 =	vsel vm4, v37, v32  }
0xbf: {  	v42 =	vsel vm10, v60, v57;
	v39 =	vsel vm11, v59, v57;
	vm0 =	vgt.f32 v47, v33  }
0xc0: {  	v46 =	vsel vm0, v47, v33;
	v33 =	vsel vm0, v33, v47;
	v47 =	vsel vm9, v55, v54  }
0xc1: {  	v63 =	vsel vm0, $0xF, v13;
	v51 =	vsel vm0, $0xE, v14;
	v54 =	vsel vm4, v35, v49  }
0xc2: {  	v38 =	vsel vm15, v38, v47;
	v47 =	vsel vm12, v59, v58;
	vm13 =	vgt.f32 v33, v44  }
0xc3: {  	vm14 =	vgt.f32 v46, v44;
	vm15 =	vgt.f32 v46, v45;
	v42 =	vsel vm11, v42, v47  }
0xc4: {  	v33 =	vsel vm13, v33, v44;
	v44 =	vsel vm14, v46, v44;
	v45 =	vsel vm15, v46, v45  }
0xc5: {  	v46 =	vsel vm13, v51, v61;
	v43 =	vsel vm14, v63, v61;
	v47 =	vsel vm15, v63, v62  }
0xc6: {  	v55 =	vsel vm6, v38, v49;
	v33 =	vsel vm14, v33, v45;
	v52 =	vsel vm14, v46, v47  }
0xc7: {  	v34 =	vsel vm4, v55, v34;
	vm7 =	vgt.f32 v44, v40;
	vm9 =	vgt.f32 v44, v41  }
0xc8: {  	vm8 =	vgt.f32 v33, v40;
	v56 =	vsel vm7, v44, v40;
	v57 =	vsel vm9, v44, v41  }
0xc9: {  	v59 =	vsel vm9, v43, v42;
	v33 =	vsel vm8, v33, v40;
	v58 =	vsel vm8, v52, v39  }
0xca: {  	v39 =	vsel vm7, v43, v39;
	vm10 =	vgt.f32 v56, v53;
	v33 =	vsel vm7, v33, v57  }
0xcb: {  	vm11 =	vgt.f32 v56, v32;
	v60 =	vsel vm7, v58, v59;
	vm12 =	vgt.f32 v33, v53  }
0xcc: {  	v61 =	vsel vm10, v39, v54;
	v34 =	vsel vm11, v39, v34;
	v36 =	vsel vm12, v60, v54  }
0xcd: {  	v34 =	vsel vm10, v36, v34;
	_ =	sdelay $0x3  }
0xce: {  	v62 =	vld.idx.msk [tilespmem:v61+s11+$0x0], $0xffff  }
0xcf: {  	v63 =	vld.idx.msk [tilespmem:v34+s11+$0x0], $0xffff;
	_ =	sdelay $0x2  }
0xd0: {  	v32 =	vsel vm11, v56, v32;
	v33 =	vsel vm12, v33, v53  }
0xd1: {  	v35 =	vsel vm10, v56, v53;
	v32 =	vsel vm10, v33, v32  }
0xd2: {  	v40 =	vsub.f32 v35, v62;
	v32 =	vsub.f32 v32, v63;
	_ =	sdelay $0x1  }
0xd3: {  	v35 =	vadd.f32 v32, v40;
	_ =	sdelay $0x1  }
0xd4: {  	v35 =	vmax.f32 v35, $9.999999960e-13  }
0xd5: {  	(erf) = vrcp.f32 v35;
	_ =	sdelay $0x6  }
0xd6: {  	s31 =	sshll.u32 s15, $0x5  }
0xd7: {  	s28 =	sand.u32 $0xFFFFFF00, s31  }
0xd8: {  	s29 =	sor.u32 s18, s28;
	v35 =	vpop (erf)  }
0xd9: {  	[tilespmem:s29+$0x2480] =	vst v61;
	v33 =	vmul.f32 v35, v40  }
0xda: {  	[tilespmem:s29+$0x2500] =	vst v34;
	v32 =	vmul.f32 v35, v32  }
0xdb: {  	s18 =	sor.u32 $0x10, s18;
	[tilespmem:s29+$0x2080] =	vst v33  }
0xdc: {  	s17 =	sor.u32 s18, s17;
	[tilespmem:s29+$0x2100] =	vst v32  }
0xdd: {  	v32 =	vld [tilespmem:s17+$0x0];
	_ =	sdelay $0x4  }
0xde: {  	v32 =	vsub.f32 $0.0e+00, v32;
	_ =	sdelay $0x1  }
0xdf: {  	v32 =	vmul.f32 $1.442695020e+00, v32;
	_ =	sdelay $0x1  }
0xe0: {  	(erf) = vpow2.f32 v32;
	_ =	sdelay $0x3  }
0xe1: {  	v41 =	vld [tilespmem:s17+$0x80];
	_ =	sdelay $0x4  }
0xe2: {  	v32 =	vsub.f32 $0.0e+00, v41;
	v42 =	vpop (erf)  }
0xe3: {  	v33 =	vadd.f32 $1.000000000e+00, v42  }
0xe4: {  	v32 =	vmul.f32 $1.442695020e+00, v32  }
0xe5: {  	(erf) = vrcp.f32 v33  }
0xe6: {  	(erf) = vpow2.f32 v32;
	_ =	sdelay $0x3  }
0xe7: {  	v43 =	vld [tilespmem:s17+$0x100];
	_ =	sdelay $0x3  }
0xe8: {  	v33 =	vpop (erf)  }
0xe9: {  	v32 =	vsub.f32 $0.0e+00, v43;
	v44 =	vpop (erf)  }
0xea: {  	v34 =	vadd.f32 $1.000000000e+00, v44  }
0xeb: {  	v32 =	vmul.f32 $1.442695020e+00, v32  }
0xec: {  	(erf) = vrcp.f32 v34  }
0xed: {  	(erf) = vpow2.f32 v32;
	_ =	sdelay $0x3  }
0xee: {  	v45 =	vld [tilespmem:s17+$0x180];
	_ =	sdelay $0x3  }
0xef: {  	v34 =	vpop (erf)  }
0xf0: {  	v32 =	vsub.f32 $0.0e+00, v45;
	v46 =	vpop (erf)  }
0xf1: {  	v35 =	vadd.f32 $1.000000000e+00, v46  }
0xf2: {  	v32 =	vmul.f32 $1.442695020e+00, v32  }
0xf3: {  	(erf) = vrcp.f32 v35  }
0xf4: {  	(erf) = vpow2.f32 v32;
	_ =	sdelay $0x3  }
0xf5: {  	v47 =	vld [tilespmem:s17+$0x200];
	_ =	sdelay $0x3  }
0xf6: {  	v35 =	vpop (erf)  }
0xf7: {  	v32 =	vsub.f32 $0.0e+00, v47;
	v48 =	vpop (erf)  }
0xf8: {  	v36 =	vadd.f32 $1.000000000e+00, v48  }
0xf9: {  	v32 =	vmul.f32 $1.442695020e+00, v32  }
0xfa: {  	(erf) = vrcp.f32 v36  }
0xfb: {  	(erf) = vpow2.f32 v32;
	_ =	sdelay $0x3  }
0xfc: {  	v49 =	vld [tilespmem:s17+$0x280];
	_ =	sdelay $0x3  }
0xfd: {  	v36 =	vpop (erf)  }
0xfe: {  	v32 =	vsub.f32 $0.0e+00, v49;
	v50 =	vpop (erf)  }
0xff: {  	v37 =	vadd.f32 $1.000000000e+00, v50  }
0x100: {  	v32 =	vmul.f32 $1.442695020e+00, v32  }
0x101: {  	(erf) = vrcp.f32 v37  }
0x102: {  	(erf) = vpow2.f32 v32;
	_ =	sdelay $0x3  }
0x103: {  	v51 =	vld [tilespmem:s17+$0x300];
	_ =	sdelay $0x3  }
0x104: {  	v37 =	vpop (erf)  }
0x105: {  	v32 =	vsub.f32 $0.0e+00, v51;
	v52 =	vpop (erf)  }
0x106: {  	v38 =	vadd.f32 $1.000000000e+00, v52  }
0x107: {  	v32 =	vmul.f32 $1.442695020e+00, v32  }
0x108: {  	(erf) = vrcp.f32 v38  }
0x109: {  	(erf) = vpow2.f32 v32;
	_ =	sdelay $0x3  }
0x10a: {  	v53 =	vld [tilespmem:s17+$0x380];
	_ =	sdelay $0x3  }
0x10b: {  	v38 =	vpop (erf)  }
0x10c: {  	v32 =	vsub.f32 $0.0e+00, v53;
	v54 =	vpop (erf)  }
0x10d: {  	v39 =	vadd.f32 $1.000000000e+00, v54  }
0x10e: {  	v32 =	vmul.f32 $1.442695020e+00, v32  }
0x10f: {  	(erf) = vrcp.f32 v39  }
0x110: {  	(erf) = vpow2.f32 v32;
	_ =	sdelay $0x2  }
0x111: {  	s19 =	sor.u32 s18, s19  }
0x112: {  	v55 =	vld [tilespmem:s19+$0x0];
	_ =	sdelay $0x3  }
0x113: {  	v39 =	vpop (erf)  }
0x114: {  	v32 =	vsub.f32 $0.0e+00, v55;
	v56 =	vpop (erf)  }
0x115: {  	v40 =	vadd.f32 $1.000000000e+00, v56  }
0x116: {  	v32 =	vmul.f32 $1.442695020e+00, v32  }
0x117: {  	(erf) = vrcp.f32 v40  }
0x118: {  	(erf) = vpow2.f32 v32;
	_ =	sdelay $0x2  }
0x119: {  	s20 =	sor.u32 s18, s20  }
0x11a: {  	v57 =	vld [tilespmem:s20+$0x0];
	_ =	sdelay $0x3  }
0x11b: {  	v40 =	vpop (erf)  }
0x11c: {  	v32 =	vsub.f32 $0.0e+00, v57;
	v58 =	vpop (erf)  }
0x11d: {  	v41 =	vadd.f32 $1.000000000e+00, v58  }
0x11e: {  	v32 =	vmul.f32 $1.442695020e+00, v32  }
0x11f: {  	(erf) = vrcp.f32 v41  }
0x120: {  	(erf) = vpow2.f32 v32;
	_ =	sdelay $0x2  }
0x121: {  	s21 =	sor.u32 s18, s21  }
0x122: {  	v59 =	vld [tilespmem:s21+$0x0];
	_ =	sdelay $0x3  }
0x123: {  	v41 =	vpop (erf)  }
0x124: {  	v32 =	vsub.f32 $0.0e+00, v59;
	v60 =	vpop (erf)  }
0x125: {  	v42 =	vadd.f32 $1.000000000e+00, v60  }
0x126: {  	v32 =	vmul.f32 $1.442695020e+00, v32  }
0x127: {  	(erf) = vrcp.f32 v42  }
0x128: {  	(erf) = vpow2.f32 v32;
	_ =	sdelay $0x2  }
0x129: {  	s22 =	sor.u32 s18, s22  }
0x12a: {  	v61 =	vld [tilespmem:s22+$0x0];
	_ =	sdelay $0x3  }
0x12b: {  	v42 =	vpop (erf)  }
0x12c: {  	v32 =	vsub.f32 $0.0e+00, v61;
	v62 =	vpop (erf)  }
0x12d: {  	v43 =	vadd.f32 $1.000000000e+00, v62  }
0x12e: {  	v32 =	vmul.f32 $1.442695020e+00, v32  }
0x12f: {  	(erf) = vrcp.f32 v43  }
0x130: {  	(erf) = vpow2.f32 v32;
	_ =	sdelay $0x2  }
0x131: {  	s23 =	sor.u32 s18, s23  }
0x132: {  	v63 =	vld [tilespmem:s23+$0x0];
	_ =	sdelay $0x3  }
0x133: {  	v43 =	vpop (erf)  }
0x134: {  	v32 =	vsub.f32 $0.0e+00, v63;
	v48 =	vpop (erf)  }
0x135: {  	v44 =	vadd.f32 $1.000000000e+00, v48  }
0x136: {  	v32 =	vmul.f32 $1.442695020e+00, v32  }
0x137: {  	(erf) = vrcp.f32 v44  }
0x138: {  	(erf) = vpow2.f32 v32;
	_ =	sdelay $0x2  }
0x139: {  	s24 =	sor.u32 s18, s24  }
0x13a: {  	v49 =	vld [tilespmem:s24+$0x0];
	_ =	sdelay $0x3  }
0x13b: {  	v44 =	vpop (erf)  }
0x13c: {  	v32 =	vsub.f32 $0.0e+00, v49;
	v50 =	vpop (erf)  }
0x13d: {  	v45 =	vadd.f32 $1.000000000e+00, v50  }
0x13e: {  	v32 =	vmul.f32 $1.442695020e+00, v32  }
0x13f: {  	(erf) = vrcp.f32 v45  }
0x140: {  	(erf) = vpow2.f32 v32;
	_ =	sdelay $0x2  }
0x141: {  	s29 =	sor.u32 s18, s25  }
0x142: {  	v51 =	vld [tilespmem:s29+$0x0];
	_ =	sdelay $0x3  }
0x143: {  	v45 =	vpop (erf)  }
0x144: {  	v32 =	vsub.f32 $0.0e+00, v51;
	v52 =	vpop (erf)  }
0x145: {  	v46 =	vadd.f32 $1.000000000e+00, v52  }
0x146: {  	v32 =	vmul.f32 $1.442695020e+00, v32  }
0x147: {  	(erf) = vrcp.f32 v46  }
0x148: {  	(erf) = vpow2.f32 v32;
	_ =	sdelay $0x2  }
0x149: {  	s30 =	sor.u32 s18, s30  }
0x14a: {  	v53 =	vld [tilespmem:s30+$0x0];
	_ =	sdelay $0x1  }
0x14b: {  	v33 =	vadd.f32 v33, v16  }
0x14c: {  	v34 =	vadd.f32 v34, v17;
	v35 =	vadd.f32 v35, v18  }
0x14d: {  	v36 =	vadd.f32 v36, v19;
	v37 =	vadd.f32 v37, v20;
	v46 =	vpop (erf)  }
0x14e: {  	vm13 =	vgt.f32 v34, v33;
	v38 =	vadd.f32 v38, v21;
	v32 =	vsub.f32 $0.0e+00, v53;
	v54 =	vpop (erf)  }
0x14f: {  	vm14 =	vmneg vm13;
	v47 =	vadd.f32 $1.000000000e+00, v54  }
0x150: {  	vm5 =	vgt.f32 v36, v35;
	vm15 =	vgt.f32 v38, v37;
	v32 =	vmul.f32 $1.442695020e+00, v32  }
0x151: {  	v39 =	vadd.f32 v39, v22;
	v40 =	vadd.f32 v40, v23;
	(erf) = vrcp.f32 v47  }
0x152: {  	v57 =	vsel vm13, v34, v33;
	v33 =	vsel vm13, v33, v34;
	(erf) = vpow2.f32 v32  }
0x153: {  	v58 =	vsel vm13, $0x1, v15;
	vm4 =	vgt.f32 v40, v39;
	v59 =	vsel vm14, $0x1, v15  }
0x154: {  	v41 =	vadd.f32 v41, v24;
	v60 =	vsel vm5, v36, v35;
	v35 =	vsel vm5, v35, v36  }
0x155: {  	vm12 =	vgt.f32 v35, v57;
	vm13 =	vgt.f32 v60, v57;
	vm14 =	vgt.f32 v60, v33  }
0x156: {  	v35 =	vsel vm12, v35, v57;
	v33 =	vsel vm14, v60, v33;
	v42 =	vadd.f32 v42, v25  }
0x157: {  	v61 =	vsel vm15, v38, v37;
	v37 =	vsel vm15, v37, v38;
	v33 =	vsel vm13, v35, v33  }
0x158: {  	v62 =	vsel vm4, v40, v39;
	v39 =	vsel vm4, v39, v40;
	vm3 =	vgt.f32 v42, v41  }
0x159: {  	vm9 =	vgt.f32 v62, v61;
	vm10 =	vgt.f32 v62, v37;
	v40 =	vsel vm3, v42, v41  }
0x15a: {  	v41 =	vsel vm3, v41, v42;
	v36 =	vsel vm9, v62, v61;
	v37 =	vsel vm10, v62, v37;
	v55 =	vpop (erf)  }
0x15b: {  	vm7 =	vgt.f32 v36, v33;
	v43 =	vadd.f32 v43, v26;
	v44 =	vadd.f32 v44, v27;
	v56 =	vpop (erf)  }
0x15c: {  	v33 =	vsel vm7, v36, v33;
	v48 =	vsel vm13, v60, v57;
	v47 =	vadd.f32 $1.000000000e+00, v56  }
0x15d: {  	v57 =	vsel vm15, $0x4, v4;
	v60 =	vsel vm3, $0x9, v7;
	vm2 =	vgt.f32 v44, v43  }
0x15e: {  	v63 =	vsel vm2, v44, v43;
	v43 =	vsel vm2, v43, v44;
	(erf) = vrcp.f32 v47  }
0x15f: {  	vm11 =	vgt.f32 v43, v40;
	v45 =	vadd.f32 v45, v28;
	v46 =	vadd.f32 v46, v29  }
0x160: {  	v62 =	vsel vm2, $0xB, v9;
	v43 =	vsel vm11, v43, v40;
	v54 =	vsel vm5, $0x3, v1  }
0x161: {  	vm0 =	vgt.f32 v46, v45;
	v49 =	vsel vm13, v54, v58;
	v34 =	vsel vm14, v54, v59  }
0x162: {  	v59 =	vsel vm4, $0x6, v6;
	v32 =	vadd.f32 v55, v30;
	v55 =	vsel vm5, $0x2, v2  }
0x163: {  	v52 =	vsel vm0, v46, v45;
	v45 =	vsel vm0, v45, v46;
	v50 =	vsel vm12, v55, v58  }
0x164: {  	v56 =	vsel vm15, $0x5, v3;
	v58 =	vsel vm4, $0x7, v5;
	vm15 =	vgt.f32 v39, v61  }
0x165: {  	vm12 =	vgt.f32 v63, v40;
	v34 =	vsel vm13, v50, v34;
	v39 =	vsel vm15, v39, v61  }
0x166: {  	v38 =	vsel vm15, v59, v56;
	v35 =	vsel vm9, v58, v56;
	v61 =	vsel vm3, $0x8, v8  }
0x167: {  	vm13 =	vgt.f32 v63, v41;
	v40 =	vsel vm12, v63, v40;
	v37 =	vsel vm9, v39, v37;
	v47 =	vpop (erf)  }
0x168: {  	v41 =	vsel vm13, v63, v41;
	v63 =	vsel vm2, $0xA, v10;
	v47 =	vadd.f32 v47, v31  }
0x169: {  	v39 =	vsel vm12, v62, v60;
	v34 =	vsel vm7, v35, v34;
	v42 =	vsel vm11, v63, v60  }
0x16a: {  	v41 =	vsel vm12, v43, v41;
	vm8 =	vgt.f32 v37, v48;
	vm1 =	vgt.f32 v47, v32  }
0x16b: {  	v37 =	vsel vm8, v37, v48;
	v53 =	vsel vm1, v47, v32;
	v32 =	vsel vm1, v32, v47  }
0x16c: {  	v47 =	vsel vm10, v58, v57;
	v50 =	vsel vm1, $0xF, v13;
	v51 =	vsel vm1, $0xE, v14  }
0x16d: {  	v38 =	vsel vm9, v38, v47;
	v47 =	vsel vm13, v62, v61;
	vm14 =	vgt.f32 v53, v45  }
0x16e: {  	vm15 =	vgt.f32 v32, v52;
	vm6 =	vgt.f32 v53, v52;
	vm9 =	vgt.f32 v36, v48  }
0x16f: {  	v42 =	vsel vm12, v42, v47;
	v32 =	vsel vm15, v32, v52;
	v45 =	vsel vm14, v53, v45  }
0x170: {  	v44 =	vsel vm6, v53, v52;
	v52 =	vsel vm0, $0xD, v11;
	v53 =	vsel vm0, $0xC, v12  }
0x171: {  	v36 =	vsel vm9, v36, v48;
	v33 =	vsel vm9, v37, v33;
	v54 =	vsel vm8, v38, v49  }
0x172: {  	v55 =	vsel vm9, v35, v49;
	v32 =	vsel vm6, v32, v45;
	v47 =	vsel vm15, v51, v52  }
0x173: {  	v46 =	vsel vm6, v50, v52;
	v43 =	vsel vm14, v50, v53;
	v34 =	vsel vm9, v54, v34  }
0x174: {  	vm10 =	vgt.f32 v44, v40;
	vm12 =	vgt.f32 v44, v41;
	v43 =	vsel vm6, v47, v43  }
0x175: {  	vm11 =	vgt.f32 v32, v40;
	v56 =	vsel vm10, v44, v40;
	v57 =	vsel vm12, v44, v41  }
0x176: {  	v59 =	vsel vm12, v46, v42;
	v32 =	vsel vm11, v32, v40;
	v58 =	vsel vm11, v43, v39  }
0x177: {  	v39 =	vsel vm10, v46, v39;
	vm13 =	vgt.f32 v56, v36;
	v32 =	vsel vm10, v32, v57  }
0x178: {  	vm14 =	vgt.f32 v56, v33;
	v60 =	vsel vm10, v58, v59;
	vm15 =	vgt.f32 v32, v36  }
0x179: {  	v38 =	vsel vm13, v39, v55;
	v34 =	vsel vm14, v39, v34;
	v37 =	vsel vm15, v60, v55  }
0x17a: {  	v34 =	vsel vm13, v37, v34;
	_ =	sdelay $0x3  }
0x17b: {  	v61 =	vld.idx.msk [tilespmem:v38+s11+$0x0], $0xffff  }
0x17c: {  	v62 =	vld.idx.msk [tilespmem:v34+s11+$0x0], $0xffff;
	_ =	sdelay $0x2  }
0x17d: {  	v33 =	vsel vm14, v56, v33;
	v32 =	vsel vm15, v32, v36  }
0x17e: {  	v35 =	vsel vm13, v56, v36;
	v32 =	vsel vm13, v32, v33  }
0x17f: {  	v63 =	vsub.f32 v35, v61;
	v32 =	vsub.f32 v32, v62;
	_ =	sdelay $0x1  }
0x180: {  	v35 =	vadd.f32 v32, v63;
	_ =	sdelay $0x1  }
0x181: {  	v35 =	vmax.f32 v35, $9.999999960e-13  }
0x182: {  	(erf) = vrcp.f32 v35;
	_ =	sdelay $0x7  }
0x183: {  	p0 =	slt.u32 s15, $0x1E  }
.Ltmp0:
0x184: {  	s31 =	sor.u32 s28, s18;
	v35 =	vpop (erf);
	(pc) =	sbr.rel @p0 .LBB2_2-.Ltmp0, $4  }
0x185: {  	[tilespmem:s31+$0x2480] =	vst v38;
	v33 =	vmul.f32 v35, v63  }
0x186: {  	[tilespmem:s31+$0x2500] =	vst v34;
	v32 =	vmul.f32 v35, v32  }
0x187: {  	[tilespmem:s31+$0x2080] =	vst v33  }
0x188: {  	s16 =	sadd.s32 $0x20, s16;
	[tilespmem:s31+$0x2100] =	vst v32  }
0x189: {  	[hbm4b:s5+s3] =	stream.linear.scatter [tilespmem:s12], [sflag:$0x1], $0x400, $0x38;
	[tilespmem:$0x2880] =	vst v63  }
0x18a: {  	s14 =	sadd.s32 $0x1, s14;
	_ =	swait.ge [sflag:s10], $0x400  }
0x18b: {  	p0 =	sne.s32 s14, s7;
	[sflag:s10] =	ssyncset.done $0x0  }
.Ltmp1:
0x18c: {  	[sflag:s10] =	ssyncadd.s32 $0xFFFFFC00;
	(pc) =	sbr.rel @p0 .LBB2_1-.Ltmp1, $4  }
0x18d: {  	[hbm4b:s6+s3] =	stream.linear.scatter [tilespmem:s13], [sflag:$0x1], $0x400, $0x38;
	[tilespmem:$0x2880] =	vst v63  }
0x18e: {  	_ =	swait.ge [sflag:s10], $0x400  }
0x18f: {  	[sflag:s10] =	ssyncset.done $0x0  }
0x190: {  	[sflag:s10] =	ssyncadd.s32 $0xFFFFFC00  }
0x191: {  	_ =	sfence.sel $0x180000  }
0x192: {  	[bflag:$0x0] =	sbarrier.arrive $0xFFFF  }
0x193: {  	p0 =	sne.s32 s2, $0x0;
	_ =	strace $0x90000047  }
0x194: {  	s0 =	sadd.s32 @!p0 $0x100000, s0;
	[bflag:$0x2] =	sbarrier.arrive $0xFFFF  }
0x195: {  	[sflag:s0] =	ssyncadd.tile.s32 @!p0 $0x1;
	_ =	shalt  }
.Lfunc_end2:
_tile_overlayer_lowered:
.L_overlay_start_2:
0x196: {  	(tag) =	ssettag $0x2  }
0x197: {  	s0 =	rddreg [dreg:$0x0];
	s2 =	stileid.u32  }
0x198: {  	s1 =	rddreg [dreg:$0x1];
	p0 =	sne.s32 s2, $0x0  }
0x199: {  	s3 =	rddreg [dreg:$0x2];
	[bflag:$0x3] =	sbarrier.arrive $0xFFFF;
	s2 =	simm.s32 @!p0 $0x1C01  }
0x19a: {  	[timem:s3], [sflag:s2] =	dma.local @!p0 [hbm:s0], s1  }
0x19b: {  	s0 =	simm.s32 @!p0 $0x1  }
0x19c: {  	_ =	swait.ge @!p0 [sflag:s0], s1  }
0x19d: {  	s1 =	ssub.s32 @!p0 $0x0, s1;
	[sflag:s0] =	ssyncset.done @!p0 $0x0  }
0x19e: {  	[sflag:s0] =	ssyncadd.s32 @!p0 s1  }
0x19f: {  	[bflag:$0x3] =	sbarrier.arrive $0xFFFF  }
0x1a0: {  	_ =	shalt  }

</sc_bundles>
